<compile_context>
chip_gen: v7x
topology: tpu7x:2x2x1
jax: 0.10.2.dev20260603
libtpu: 0.0.44.dev20260713+nightly
codegen_flags: <defaults>
</compile_context>

<pallas_src>
import jax
import jax.numpy as jnp
from jax import lax
from jax.experimental import pallas as pl
from jax.experimental.pallas import tpu as pltpu
from jax.experimental.pallas import tpu_sc as plsc

N_NODES = 10000
N_EDGES = 320000
D_FEAT = 128
HIDDEN = 3
N_CLASSES = 10

NC = 2
NS = 16
NW = NC * NS
EPW = N_EDGES // NW
L = 16
NP = N_NODES
PF = NP * HIDDEN

_MESH = plsc.VectorSubcoreMesh(core_axis_name="c", subcore_axis_name="s")
_SC_PARAMS = pltpu.CompilerParams(
    use_tc_tiling_on_sc=False, needs_layout_passes=False)


def _deg_body(ei_hbm, out_hbm, col_v, hist_v):
    c = lax.axis_index("c")
    s = lax.axis_index("s")
    wid = c * NS + s
    pltpu.sync_copy(ei_hbm.at[1, pl.ds(wid * EPW, EPW)], col_v)

    def zbody(t, carry):
        hist_v[pl.ds(t * L, L)] = jnp.zeros((L,), jnp.float32)
        return carry

    lax.fori_loop(0, NP // L, zbody, 0, unroll=8)
    ones = jnp.ones((L,), jnp.float32)

    @plsc.parallel_loop(0, EPW // L, unroll=8)
    def _hist_loop(i):
        cv = col_v[pl.ds(i * L, L)]
        plsc.addupdate_scatter(hist_v, [cv], ones)

    pltpu.sync_copy(hist_v, out_hbm.at[pl.ds(wid * NP, NP)])


def _agg_body(ei_hbm, p_hbm, out_hbm, row_v, col_v, p_v, acc_v):
    c = lax.axis_index("c")
    s = lax.axis_index("s")
    wid = c * NS + s
    pltpu.sync_copy(ei_hbm.at[0, pl.ds(wid * EPW, EPW)], row_v)
    pltpu.sync_copy(ei_hbm.at[1, pl.ds(wid * EPW, EPW)], col_v)
    pltpu.sync_copy(p_hbm, p_v)

    def zbody(t, carry):
        acc_v[pl.ds(t * L, L)] = jnp.zeros((L,), jnp.float32)
        return carry

    lax.fori_loop(0, PF // L, zbody, 0, unroll=8)

    @plsc.parallel_loop(0, EPW // L, unroll=8)
    def _agg_loop(i):
        rv = row_v[pl.ds(i * L, L)]
        cv = col_v[pl.ds(i * L, L)]
        for j in range(HIDDEN):
            g = plsc.load_gather(p_v, [rv + j * NP])
            plsc.addupdate_scatter(acc_v, [cv + j * NP], g)

    pltpu.sync_copy(acc_v, out_hbm.at[pl.ds(wid * PF, PF)])


def _mm1_body(x_ref, w1_ref, ht_ref):
    h = jnp.dot(x_ref[...], w1_ref[...], preferred_element_type=jnp.float32)
    ht_ref[...] = h.T


def _scale_body(ht_ref, hist_ref, p_ref, dinv_ref):
    deg = hist_ref[pl.ds(0, NP)]
    for w in range(1, NW):
        deg = deg + hist_ref[pl.ds(w * NP, NP)]
    dinv = lax.rsqrt(deg + 1.0)
    dinv_ref[...] = dinv
    for j in range(HIDDEN):
        p_ref[pl.ds(j * NP, NP)] = ht_ref[j] * dinv


def _dense2_body(acc_ref, p_ref, dinv_ref, b1_ref, w2t_ref, b2_ref, ht_ref,
                 zt_ref):
    dinv = dinv_ref[...]
    rows = []
    for j in range(HIDDEN):
        a = acc_ref[pl.ds(j * NP, NP)]
        for w in range(1, NW):
            a = a + acc_ref[pl.ds((w * HIDDEN + j) * NP, NP)]
        t = (a + p_ref[pl.ds(j * NP, NP)]) * dinv + b1_ref[j]
        rows.append(jnp.maximum(t, 0.0))
    hrt = jnp.stack(rows)
    ht_ref[...] = hrt
    zt_ref[...] = jnp.dot(w2t_ref[...], hrt,
                          preferred_element_type=jnp.float32) + b2_ref[...]


_deg_kernel = pl.kernel(
    _deg_body,
    out_type=jax.ShapeDtypeStruct((NW * NP,), jnp.float32),
    mesh=_MESH,
    scratch_types=[
        pltpu.VMEM((EPW,), jnp.int32),
        pltpu.VMEM((NP,), jnp.float32),
    ],
    compiler_params=_SC_PARAMS,
)

_agg_kernel = pl.kernel(
    _agg_body,
    out_type=jax.ShapeDtypeStruct((NW * PF,), jnp.float32),
    mesh=_MESH,
    scratch_types=[
        pltpu.VMEM((EPW,), jnp.int32),
        pltpu.VMEM((EPW,), jnp.int32),
        pltpu.VMEM((PF,), jnp.float32),
        pltpu.VMEM((PF,), jnp.float32),
    ],
    compiler_params=_SC_PARAMS,
)

_mm1_kernel = pl.pallas_call(
    _mm1_body,
    out_shape=jax.ShapeDtypeStruct((HIDDEN, NP), jnp.float32),
)

_scale_kernel = pl.pallas_call(
    _scale_body,
    out_shape=[
        jax.ShapeDtypeStruct((PF,), jnp.float32),
        jax.ShapeDtypeStruct((NP,), jnp.float32),
    ],
)

_dense2_kernel = pl.pallas_call(
    _dense2_body,
    out_shape=[
        jax.ShapeDtypeStruct((HIDDEN, NP), jnp.float32),
        jax.ShapeDtypeStruct((N_CLASSES, NP), jnp.float32),
    ],
)


def kernel(x, edge_index, W1, b1, W2, b2):
    ei = edge_index.astype(jnp.int32)

    hist = _deg_kernel(ei)
    ht = _mm1_kernel(x, W1)
    p, dinv = _scale_kernel(ht, hist)
    acc = _agg_kernel(ei, p)
    ht_out, zt = _dense2_kernel(acc, p, dinv, b1, W2.T,
                                b2.reshape(N_CLASSES, 1))
    return (ht_out.T, zt.T)

# --- scband reference (transcript-rebuilt; emitter-appended) ---
"""Pipeline reference for scband-gcn-31722628448491 (READ-ONLY COPY).

The authoritative reference and input builder live on the scoring server;
editing this copy changes nothing except your own understanding.
"""

import jax, jax.numpy as jnp
import numpy as np

N_NODES = 10000
N_EDGES = 320000
D_FEAT = 128
HIDDEN = 3
N_CLASSES = 10


def setup_inputs(seed: int = 0) -> dict:
    key = jax.random.key(seed)
    k1, k2, k3, k4, k5, k6 = jax.random.split(key, 6)
    x = jax.random.normal(k1, (N_NODES, D_FEAT), dtype=jnp.float32)
    edge_index = jax.random.randint(k2, (2, N_EDGES), 0, N_NODES, dtype=jnp.int64)
    # GCNConv params (glorot-ish init)
    W1 = jax.random.normal(k3, (D_FEAT, HIDDEN), dtype=jnp.float32) * (1.0 / np.sqrt(D_FEAT))
    b1 = jnp.zeros((HIDDEN,), dtype=jnp.float32)
    # Linear(3, num_classes) params
    W2 = jax.random.normal(k4, (HIDDEN, N_CLASSES), dtype=jnp.float32) * (1.0 / np.sqrt(HIDDEN))
    b2 = jax.random.normal(k5, (N_CLASSES,), dtype=jnp.float32) * 0.01
    return {"x": x, "edge_index": edge_index, "W1": W1, "b1": b1, "W2": W2, "b2": b2}


def gcn_conv(x, edge_index, W, b):
    # Faithful PyG GCNConv: add self-loops, symmetric normalization, linear transform, scatter-add aggregate, bias.
    N = x.shape[0]
    loops = jnp.arange(N, dtype=edge_index.dtype)
    ei = jnp.concatenate([edge_index, jnp.stack([loops, loops])], axis=1)
    row, col = ei[0], ei[1]
    h = x @ W  # linear transform first (PyG order)
    deg = jnp.zeros((N,), dtype=h.dtype).at[col].add(1.0)
    deg_inv_sqrt = jnp.where(deg > 0, deg ** -0.5, 0.0)
    norm = deg_inv_sqrt[row] * deg_inv_sqrt[col]
    msg = h[row] * norm[:, None]
    out = jnp.zeros((N, h.shape[1]), dtype=h.dtype).at[col].add(msg)
    return out + b


def reference(x, edge_index, W1, b1, W2, b2):
    h = jax.nn.relu(gcn_conv(x, edge_index, W1, b1))
    z = h @ W2 + b2
    return (h, z)

if __name__ == "__main__":
    import jax
    _d = setup_inputs()
    print(jax.jit(kernel)(*tuple(_d.values())))

</pallas_src>

<mosaic_0001>
#map = affine_map<(d0, d1) -> (0, 0)>
#map1 = affine_map<(d0, d1) -> (0)>
module attributes {stable_mosaic.version = 14 : i64} {
  func.func @_deg_body(%arg0: i32, %arg1: i32, %arg2: memref<2x320000xi32, #tpu.memory_space<hbm>>, %arg3: memref<320000xf32, #tpu.memory_space<hbm>>, %arg4: memref<10000xi32, #tpu.memory_space<vmem>>, %arg5: memref<10000xf32, #tpu.memory_space<vmem>>) attributes {dimension_semantics = [#tpu.dimension_semantics<core_parallel>, #tpu.dimension_semantics<subcore_parallel>], iteration_bounds = array<i64: 2, 16>, scalar_prefetch = 0 : i64, scratch_operands = 2 : i64, tpu.core_type = #tpu.core_type<sc_vector_subcore>, window_params = [{transform_indices = #map}, {transform_indices = #map1}]} {
    %mul3A = arith.constant 16 : i32
    %mul3A_0 = arith.muli %arg0, %mul3A : i32
    %add3A = arith.addi %mul3A_0, %arg1 : i32
    %mul3A_1 = arith.constant 10000 : i32
    %mul3A_2 = arith.muli %add3A, %mul3A_1 : i32
    %run_scoped3A = arith.constant 1 : i32
    "tpu.region"() ({
      %run_scoped3A_20 = tpu.sem_alloc : memref<!tpu.dma_semaphore, #tpu.memory_space<semaphore_mem>>
      %dma_start3A = tpu.memref_slice %arg2[%run_scoped3A, %mul3A_2] : memref<2x320000xi32, #tpu.memory_space<hbm>> -> memref<1x10000xi32, #tpu.memory_space<hbm>>
      %dma_start3A_21 = tpu.memref_squeeze %dma_start3A : memref<1x10000xi32, #tpu.memory_space<hbm>> -> memref<10000xi32, #tpu.memory_space<hbm>>
      %dma_start3A_22 = tpu.memref_slice %arg2[%run_scoped3A, %mul3A_2] : memref<2x320000xi32, #tpu.memory_space<hbm>> -> memref<1x10000xi32, #tpu.memory_space<hbm>>
      %dma_start3A_23 = tpu.memref_squeeze %dma_start3A_22 : memref<1x10000xi32, #tpu.memory_space<hbm>> -> memref<10000xi32, #tpu.memory_space<hbm>>
      tpu.enqueue_dma source(%dma_start3A_23 : memref<10000xi32, #tpu.memory_space<hbm>>) target(%arg4 : memref<10000xi32, #tpu.memory_space<vmem>>) target_semaphore(%run_scoped3A_20 : memref<!tpu.dma_semaphore, #tpu.memory_space<semaphore_mem>>)
      %dma_wait3A = tpu.memref_slice %arg2[%run_scoped3A, %mul3A_2] : memref<2x320000xi32, #tpu.memory_space<hbm>> -> memref<1x10000xi32, #tpu.memory_space<hbm>>
      %dma_wait3A_24 = tpu.memref_squeeze %dma_wait3A : memref<1x10000xi32, #tpu.memory_space<hbm>> -> memref<10000xi32, #tpu.memory_space<hbm>>
      %dma_wait3A_25 = tpu.memref_slice %arg2[%run_scoped3A, %mul3A_2] : memref<2x320000xi32, #tpu.memory_space<hbm>> -> memref<1x10000xi32, #tpu.memory_space<hbm>>
      %dma_wait3A_26 = tpu.memref_squeeze %dma_wait3A_25 : memref<1x10000xi32, #tpu.memory_space<hbm>> -> memref<10000xi32, #tpu.memory_space<hbm>>
      tpu.wait_dma2 semaphore(%run_scoped3A_20 : memref<!tpu.dma_semaphore, #tpu.memory_space<semaphore_mem>>) src(%dma_wait3A_26 : memref<10000xi32, #tpu.memory_space<hbm>>) dst(%arg4 : memref<10000xi32, #tpu.memory_space<vmem>>)
      tpu.yield
    }) : () -> ()
    %scan3A = arith.constant 0 : i32
    %scan3A_3 = arith.constant 0 : i32
    %scan3A_4 = arith.constant 624 : i32
    %scan3A_5 = arith.addi %scan3A_3, %scan3A_4 : i32
    %scan3A_6 = arith.constant 8 : i32
    scf.for %scan3A_20 = %scan3A_3 to %scan3A_5 step %scan3A_6  : i32 {
      %broadcast_in_dim3A_21 = arith.constant 0.000000e+00 : f32
      %broadcast_in_dim3A_22 = vector.broadcast %broadcast_in_dim3A_21 : f32 to vector<16xf32>
      %mul3A_23 = arith.constant 16 : i32
      %mul3A_24 = arith.muli %scan3A_20, %mul3A_23 : i32
      %swap3A_25 = arith.index_cast %mul3A_24 : i32 to index
      %swap3A_26 = tpu.vector_load %arg5[%swap3A_25] {strides = array<i32>} : memref<10000xf32, #tpu.memory_space<vmem>>, vector<16xf32>,
      tpu.vector_store %arg5[%swap3A_25], %broadcast_in_dim3A_22 {strides = array<i32>} : memref<10000xf32, #tpu.memory_space<vmem>>, vector<16xf32>,
      %scan3A_27 = arith.constant 1 : i32
      %scan3A_28 = arith.addi %scan3A_20, %scan3A_27 : i32
      %broadcast_in_dim3A_29 = arith.constant 0.000000e+00 : f32
      %broadcast_in_dim3A_30 = vector.broadcast %broadcast_in_dim3A_29 : f32 to vector<16xf32>
      %mul3A_31 = arith.constant 16 : i32
      %mul3A_32 = arith.muli %scan3A_28, %mul3A_31 : i32
      %swap3A_33 = arith.index_cast %mul3A_32 : i32 to index
      %swap3A_34 = tpu.vector_load %arg5[%swap3A_33] {strides = array<i32>} : memref<10000xf32, #tpu.memory_space<vmem>>, vector<16xf32>,
      tpu.vector_store %arg5[%swap3A_33], %broadcast_in_dim3A_30 {strides = array<i32>} : memref<10000xf32, #tpu.memory_space<vmem>>, vector<16xf32>,
      %scan3A_35 = arith.constant 2 : i32
      %scan3A_36 = arith.addi %scan3A_20, %scan3A_35 : i32
      %broadcast_in_dim3A_37 = arith.constant 0.000000e+00 : f32
      %broadcast_in_dim3A_38 = vector.broadcast %broadcast_in_dim3A_37 : f32 to vector<16xf32>
      %mul3A_39 = arith.constant 16 : i32
      %mul3A_40 = arith.muli %scan3A_36, %mul3A_39 : i32
      %swap3A_41 = arith.index_cast %mul3A_40 : i32 to index
      %swap3A_42 = tpu.vector_load %arg5[%swap3A_41] {strides = array<i32>} : memref<10000xf32, #tpu.memory_space<vmem>>, vector<16xf32>,
      tpu.vector_store %arg5[%swap3A_41], %broadcast_in_dim3A_38 {strides = array<i32>} : memref<10000xf32, #tpu.memory_space<vmem>>, vector<16xf32>,
      %scan3A_43 = arith.constant 3 : i32
      %scan3A_44 = arith.addi %scan3A_20, %scan3A_43 : i32
      %broadcast_in_dim3A_45 = arith.constant 0.000000e+00 : f32
      %broadcast_in_dim3A_46 = vector.broadcast %broadcast_in_dim3A_45 : f32 to vector<16xf32>
      %mul3A_47 = arith.constant 16 : i32
      %mul3A_48 = arith.muli %scan3A_44, %mul3A_47 : i32
      %swap3A_49 = arith.index_cast %mul3A_48 : i32 to index
      %swap3A_50 = tpu.vector_load %arg5[%swap3A_49] {strides = array<i32>} : memref<10000xf32, #tpu.memory_space<vmem>>, vector<16xf32>,
      tpu.vector_store %arg5[%swap3A_49], %broadcast_in_dim3A_46 {strides = array<i32>} : memref<10000xf32, #tpu.memory_space<vmem>>, vector<16xf32>,
      %scan3A_51 = arith.constant 4 : i32
      %scan3A_52 = arith.addi %scan3A_20, %scan3A_51 : i32
      %broadcast_in_dim3A_53 = arith.constant 0.000000e+00 : f32
      %broadcast_in_dim3A_54 = vector.broadcast %broadcast_in_dim3A_53 : f32 to vector<16xf32>
      %mul3A_55 = arith.constant 16 : i32
      %mul3A_56 = arith.muli %scan3A_52, %mul3A_55 : i32
      %swap3A_57 = arith.index_cast %mul3A_56 : i32 to index
      %swap3A_58 = tpu.vector_load %arg5[%swap3A_57] {strides = array<i32>} : memref<10000xf32, #tpu.memory_space<vmem>>, vector<16xf32>,
      tpu.vector_store %arg5[%swap3A_57], %broadcast_in_dim3A_54 {strides = array<i32>} : memref<10000xf32, #tpu.memory_space<vmem>>, vector<16xf32>,
      %scan3A_59 = arith.constant 5 : i32
      %scan3A_60 = arith.addi %scan3A_20, %scan3A_59 : i32
      %broadcast_in_dim3A_61 = arith.constant 0.000000e+00 : f32
      %broadcast_in_dim3A_62 = vector.broadcast %broadcast_in_dim3A_61 : f32 to vector<16xf32>
      %mul3A_63 = arith.constant 16 : i32
      %mul3A_64 = arith.muli %scan3A_60, %mul3A_63 : i32
      %swap3A_65 = arith.index_cast %mul3A_64 : i32 to index
      %swap3A_66 = tpu.vector_load %arg5[%swap3A_65] {strides = array<i32>} : memref<10000xf32, #tpu.memory_space<vmem>>, vector<16xf32>,
      tpu.vector_store %arg5[%swap3A_65], %broadcast_in_dim3A_62 {strides = array<i32>} : memref<10000xf32, #tpu.memory_space<vmem>>, vector<16xf32>,
      %scan3A_67 = arith.constant 6 : i32
      %scan3A_68 = arith.addi %scan3A_20, %scan3A_67 : i32
      %broadcast_in_dim3A_69 = arith.constant 0.000000e+00 : f32
      %broadcast_in_dim3A_70 = vector.broadcast %broadcast_in_dim3A_69 : f32 to vector<16xf32>
      %mul3A_71 = arith.constant 16 : i32
      %mul3A_72 = arith.muli %scan3A_68, %mul3A_71 : i32
      %swap3A_73 = arith.index_cast %mul3A_72 : i32 to index
      %swap3A_74 = tpu.vector_load %arg5[%swap3A_73] {strides = array<i32>} : memref<10000xf32, #tpu.memory_space<vmem>>, vector<16xf32>,
      tpu.vector_store %arg5[%swap3A_73], %broadcast_in_dim3A_70 {strides = array<i32>} : memref<10000xf32, #tpu.memory_space<vmem>>, vector<16xf32>,
      %scan3A_75 = arith.constant 7 : i32
      %scan3A_76 = arith.addi %scan3A_20, %scan3A_75 : i32
      %broadcast_in_dim3A_77 = arith.constant 0.000000e+00 : f32
      %broadcast_in_dim3A_78 = vector.broadcast %broadcast_in_dim3A_77 : f32 to vector<16xf32>
      %mul3A_79 = arith.constant 16 : i32
      %mul3A_80 = arith.muli %scan3A_76, %mul3A_79 : i32
      %swap3A_81 = arith.index_cast %mul3A_80 : i32 to index
      %swap3A_82 = tpu.vector_load %arg5[%swap3A_81] {strides = array<i32>} : memref<10000xf32, #tpu.memory_space<vmem>>, vector<16xf32>,
      tpu.vector_store %arg5[%swap3A_81], %broadcast_in_dim3A_78 {strides = array<i32>} : memref<10000xf32, #tpu.memory_space<vmem>>, vector<16xf32>,
    }
    %scan3A_7 = arith.constant 624 : i32
    %scan3A_8 = arith.addi %scan3A_3, %scan3A_7 : i32
    %broadcast_in_dim3A = arith.constant 0.000000e+00 : f32
    %broadcast_in_dim3A_9 = vector.broadcast %broadcast_in_dim3A : f32 to vector<16xf32>
    %mul3A_10 = arith.constant 16 : i32
    %mul3A_11 = arith.muli %scan3A_8, %mul3A_10 : i32
    %swap3A = arith.index_cast %mul3A_11 : i32 to index
    %swap3A_12 = tpu.vector_load %arg5[%swap3A] {strides = array<i32>} : memref<10000xf32, #tpu.memory_space<vmem>>, vector<16xf32>,
    tpu.vector_store %arg5[%swap3A], %broadcast_in_dim3A_9 {strides = array<i32>} : memref<10000xf32, #tpu.memory_space<vmem>>, vector<16xf32>,
    %scan3A_13 = arith.constant 625 : i32
    %broadcast_in_dim3A_14 = arith.constant 1.000000e+00 : f32
    %broadcast_in_dim3A_15 = vector.broadcast %broadcast_in_dim3A_14 : f32 to vector<16xf32>
    %parallel_loop3A = arith.constant 0 : i32
    %parallel_loop3A_16 = arith.constant 625 : i32
    %parallel_loop3A_17 = arith.constant 1 : i32
    scf.for %parallel_loop3A_20 = %parallel_loop3A to %parallel_loop3A_16 step %parallel_loop3A_17  : i32 {
      %parallel_loop3A_21 = arith.constant 16 : i32
      %parallel_loop3A_22 = arith.muli %parallel_loop3A_20, %parallel_loop3A_21 : i32
      %parallel_loop3A_23 = arith.index_cast %parallel_loop3A_22 : i32 to index
      %parallel_loop3A_24 = tpu.vector_load %arg4[%parallel_loop3A_23] {strides = array<i32>} : memref<10000xi32, #tpu.memory_space<vmem>>, vector<16xi32>,
      tpu.vector_store_idx %arg5[%parallel_loop3A_24], %broadcast_in_dim3A_15 {add = true} : memref<10000xf32, #tpu.memory_space<vmem>>[vector<16xi32>], vector<16xf32>,
    } {sc.loop_unroll_factor = 8 : i64, sc.parallel_access}
    %mul3A_18 = arith.constant 10000 : i32
    %mul3A_19 = arith.muli %add3A, %mul3A_18 : i32
    "tpu.region"() ({
      %run_scoped3A_20 = tpu.sem_alloc : memref<!tpu.dma_semaphore, #tpu.memory_space<semaphore_mem>>
      %dma_start3A = tpu.memref_slice %arg3[%mul3A_19] : memref<320000xf32, #tpu.memory_space<hbm>> -> memref<10000xf32, #tpu.memory_space<hbm>>
      %dma_start3A_21 = tpu.memref_slice %arg3[%mul3A_19] : memref<320000xf32, #tpu.memory_space<hbm>> -> memref<10000xf32, #tpu.memory_space<hbm>>
      tpu.enqueue_dma source(%arg5 : memref<10000xf32, #tpu.memory_space<vmem>>) target(%dma_start3A_21 : memref<10000xf32, #tpu.memory_space<hbm>>) target_semaphore(%run_scoped3A_20 : memref<!tpu.dma_semaphore, #tpu.memory_space<semaphore_mem>>)
      %dma_wait3A = tpu.memref_slice %arg3[%mul3A_19] : memref<320000xf32, #tpu.memory_space<hbm>> -> memref<10000xf32, #tpu.memory_space<hbm>>
      %dma_wait3A_22 = tpu.memref_slice %arg3[%mul3A_19] : memref<320000xf32, #tpu.memory_space<hbm>> -> memref<10000xf32, #tpu.memory_space<hbm>>
      tpu.wait_dma2 semaphore(%run_scoped3A_20 : memref<!tpu.dma_semaphore, #tpu.memory_space<semaphore_mem>>) src(%arg5 : memref<10000xf32, #tpu.memory_space<vmem>>) dst(%dma_wait3A_22 : memref<10000xf32, #tpu.memory_space<hbm>>)
      tpu.yield
    }) : () -> ()
    return
  }
}

#map = affine_map<(d0, d1) -> (0, 0)>
#map1 = affine_map<(d0, d1) -> (0)>
module attributes {stable_mosaic.version = 14 : i64} {
  func.func @_agg_body(%arg0: i32, %arg1: i32, %arg2: memref<2x320000xi32, #tpu.memory_space<hbm>>, %arg3: memref<30000xf32, #tpu.memory_space<hbm>>, %arg4: memref<960000xf32, #tpu.memory_space<hbm>>, %arg5: memref<10000xi32, #tpu.memory_space<vmem>>, %arg6: memref<10000xi32, #tpu.memory_space<vmem>>, %arg7: memref<30000xf32, #tpu.memory_space<vmem>>, %arg8: memref<30000xf32, #tpu.memory_space<vmem>>) attributes {dimension_semantics = [#tpu.dimension_semantics<core_parallel>, #tpu.dimension_semantics<subcore_parallel>], iteration_bounds = array<i64: 2, 16>, scalar_prefetch = 0 : i64, scratch_operands = 4 : i64, tpu.core_type = #tpu.core_type<sc_vector_subcore>, window_params = [{transform_indices = #map}, {transform_indices = #map1}, {transform_indices = #map1}]} {
    %mul3A = arith.constant 16 : i32
    %mul3A_0 = arith.muli %arg0, %mul3A : i32
    %add3A = arith.addi %mul3A_0, %arg1 : i32
    %mul3A_1 = arith.constant 10000 : i32
    %mul3A_2 = arith.muli %add3A, %mul3A_1 : i32
    %run_scoped3A = arith.constant 0 : i32
    "tpu.region"() ({
      %run_scoped3A_37 = tpu.sem_alloc : memref<!tpu.dma_semaphore, #tpu.memory_space<semaphore_mem>>
      %dma_start3A = tpu.memref_slice %arg2[%run_scoped3A, %mul3A_2] : memref<2x320000xi32, #tpu.memory_space<hbm>> -> memref<1x10000xi32, #tpu.memory_space<hbm>>
      %dma_start3A_38 = tpu.memref_squeeze %dma_start3A : memref<1x10000xi32, #tpu.memory_space<hbm>> -> memref<10000xi32, #tpu.memory_space<hbm>>
      %dma_start3A_39 = tpu.memref_slice %arg2[%run_scoped3A, %mul3A_2] : memref<2x320000xi32, #tpu.memory_space<hbm>> -> memref<1x10000xi32, #tpu.memory_space<hbm>>
      %dma_start3A_40 = tpu.memref_squeeze %dma_start3A_39 : memref<1x10000xi32, #tpu.memory_space<hbm>> -> memref<10000xi32, #tpu.memory_space<hbm>>
      tpu.enqueue_dma source(%dma_start3A_40 : memref<10000xi32, #tpu.memory_space<hbm>>) target(%arg5 : memref<10000xi32, #tpu.memory_space<vmem>>) target_semaphore(%run_scoped3A_37 : memref<!tpu.dma_semaphore, #tpu.memory_space<semaphore_mem>>)
      %dma_wait3A = tpu.memref_slice %arg2[%run_scoped3A, %mul3A_2] : memref<2x320000xi32, #tpu.memory_space<hbm>> -> memref<1x10000xi32, #tpu.memory_space<hbm>>
      %dma_wait3A_41 = tpu.memref_squeeze %dma_wait3A : memref<1x10000xi32, #tpu.memory_space<hbm>> -> memref<10000xi32, #tpu.memory_space<hbm>>
      %dma_wait3A_42 = tpu.memref_slice %arg2[%run_scoped3A, %mul3A_2] : memref<2x320000xi32, #tpu.memory_space<hbm>> -> memref<1x10000xi32, #tpu.memory_space<hbm>>
      %dma_wait3A_43 = tpu.memref_squeeze %dma_wait3A_42 : memref<1x10000xi32, #tpu.memory_space<hbm>> -> memref<10000xi32, #tpu.memory_space<hbm>>
      tpu.wait_dma2 semaphore(%run_scoped3A_37 : memref<!tpu.dma_semaphore, #tpu.memory_space<semaphore_mem>>) src(%dma_wait3A_43 : memref<10000xi32, #tpu.memory_space<hbm>>) dst(%arg5 : memref<10000xi32, #tpu.memory_space<vmem>>)
      tpu.yield
    }) : () -> ()
    %mul3A_3 = arith.constant 10000 : i32
    %mul3A_4 = arith.muli %add3A, %mul3A_3 : i32
    %run_scoped3A_5 = arith.constant 1 : i32
    "tpu.region"() ({
      %run_scoped3A_37 = tpu.sem_alloc : memref<!tpu.dma_semaphore, #tpu.memory_space<semaphore_mem>>
      %dma_start3A = tpu.memref_slice %arg2[%run_scoped3A_5, %mul3A_4] : memref<2x320000xi32, #tpu.memory_space<hbm>> -> memref<1x10000xi32, #tpu.memory_space<hbm>>
      %dma_start3A_38 = tpu.memref_squeeze %dma_start3A : memref<1x10000xi32, #tpu.memory_space<hbm>> -> memref<10000xi32, #tpu.memory_space<hbm>>
      %dma_start3A_39 = tpu.memref_slice %arg2[%run_scoped3A_5, %mul3A_4] : memref<2x320000xi32, #tpu.memory_space<hbm>> -> memref<1x10000xi32, #tpu.memory_space<hbm>>
      %dma_start3A_40 = tpu.memref_squeeze %dma_start3A_39 : memref<1x10000xi32, #tpu.memory_space<hbm>> -> memref<10000xi32, #tpu.memory_space<hbm>>
      tpu.enqueue_dma source(%dma_start3A_40 : memref<10000xi32, #tpu.memory_space<hbm>>) target(%arg6 : memref<10000xi32, #tpu.memory_space<vmem>>) target_semaphore(%run_scoped3A_37 : memref<!tpu.dma_semaphore, #tpu.memory_space<semaphore_mem>>)
      %dma_wait3A = tpu.memref_slice %arg2[%run_scoped3A_5, %mul3A_4] : memref<2x320000xi32, #tpu.memory_space<hbm>> -> memref<1x10000xi32, #tpu.memory_space<hbm>>
      %dma_wait3A_41 = tpu.memref_squeeze %dma_wait3A : memref<1x10000xi32, #tpu.memory_space<hbm>> -> memref<10000xi32, #tpu.memory_space<hbm>>
      %dma_wait3A_42 = tpu.memref_slice %arg2[%run_scoped3A_5, %mul3A_4] : memref<2x320000xi32, #tpu.memory_space<hbm>> -> memref<1x10000xi32, #tpu.memory_space<hbm>>
      %dma_wait3A_43 = tpu.memref_squeeze %dma_wait3A_42 : memref<1x10000xi32, #tpu.memory_space<hbm>> -> memref<10000xi32, #tpu.memory_space<hbm>>
      tpu.wait_dma2 semaphore(%run_scoped3A_37 : memref<!tpu.dma_semaphore, #tpu.memory_space<semaphore_mem>>) src(%dma_wait3A_43 : memref<10000xi32, #tpu.memory_space<hbm>>) dst(%arg6 : memref<10000xi32, #tpu.memory_space<vmem>>)
      tpu.yield
    }) : () -> ()
    "tpu.region"() ({
      %run_scoped3A_37 = tpu.sem_alloc : memref<!tpu.dma_semaphore, #tpu.memory_space<semaphore_mem>>
      tpu.enqueue_dma source(%arg3 : memref<30000xf32, #tpu.memory_space<hbm>>) target(%arg7 : memref<30000xf32, #tpu.memory_space<vmem>>) target_semaphore(%run_scoped3A_37 : memref<!tpu.dma_semaphore, #tpu.memory_space<semaphore_mem>>)
      tpu.wait_dma2 semaphore(%run_scoped3A_37 : memref<!tpu.dma_semaphore, #tpu.memory_space<semaphore_mem>>) src(%arg3 : memref<30000xf32, #tpu.memory_space<hbm>>) dst(%arg7 : memref<30000xf32, #tpu.memory_space<vmem>>)
      tpu.yield
    }) : () -> ()
    %scan3A = arith.constant 0 : i32
    %scan3A_6 = arith.constant 0 : i32
    %scan3A_7 = arith.constant 1872 : i32
    %scan3A_8 = arith.addi %scan3A_6, %scan3A_7 : i32
    %scan3A_9 = arith.constant 8 : i32
    scf.for %scan3A_37 = %scan3A_6 to %scan3A_8 step %scan3A_9  : i32 {
      %broadcast_in_dim3A_38 = arith.constant 0.000000e+00 : f32
      %broadcast_in_dim3A_39 = vector.broadcast %broadcast_in_dim3A_38 : f32 to vector<16xf32>
      %mul3A_40 = arith.constant 16 : i32
      %mul3A_41 = arith.muli %scan3A_37, %mul3A_40 : i32
      %swap3A_42 = arith.index_cast %mul3A_41 : i32 to index
      %swap3A_43 = tpu.vector_load %arg8[%swap3A_42] {strides = array<i32>} : memref<30000xf32, #tpu.memory_space<vmem>>, vector<16xf32>,
      tpu.vector_store %arg8[%swap3A_42], %broadcast_in_dim3A_39 {strides = array<i32>} : memref<30000xf32, #tpu.memory_space<vmem>>, vector<16xf32>,
      %scan3A_44 = arith.constant 1 : i32
      %scan3A_45 = arith.addi %scan3A_37, %scan3A_44 : i32
      %broadcast_in_dim3A_46 = arith.constant 0.000000e+00 : f32
      %broadcast_in_dim3A_47 = vector.broadcast %broadcast_in_dim3A_46 : f32 to vector<16xf32>
      %mul3A_48 = arith.constant 16 : i32
      %mul3A_49 = arith.muli %scan3A_45, %mul3A_48 : i32
      %swap3A_50 = arith.index_cast %mul3A_49 : i32 to index
      %swap3A_51 = tpu.vector_load %arg8[%swap3A_50] {strides = array<i32>} : memref<30000xf32, #tpu.memory_space<vmem>>, vector<16xf32>,
      tpu.vector_store %arg8[%swap3A_50], %broadcast_in_dim3A_47 {strides = array<i32>} : memref<30000xf32, #tpu.memory_space<vmem>>, vector<16xf32>,
      %scan3A_52 = arith.constant 2 : i32
      %scan3A_53 = arith.addi %scan3A_37, %scan3A_52 : i32
      %broadcast_in_dim3A_54 = arith.constant 0.000000e+00 : f32
      %broadcast_in_dim3A_55 = vector.broadcast %broadcast_in_dim3A_54 : f32 to vector<16xf32>
      %mul3A_56 = arith.constant 16 : i32
      %mul3A_57 = arith.muli %scan3A_53, %mul3A_56 : i32
      %swap3A_58 = arith.index_cast %mul3A_57 : i32 to index
      %swap3A_59 = tpu.vector_load %arg8[%swap3A_58] {strides = array<i32>} : memref<30000xf32, #tpu.memory_space<vmem>>, vector<16xf32>,
      tpu.vector_store %arg8[%swap3A_58], %broadcast_in_dim3A_55 {strides = array<i32>} : memref<30000xf32, #tpu.memory_space<vmem>>, vector<16xf32>,
      %scan3A_60 = arith.constant 3 : i32
      %scan3A_61 = arith.addi %scan3A_37, %scan3A_60 : i32
      %broadcast_in_dim3A_62 = arith.constant 0.000000e+00 : f32
      %broadcast_in_dim3A_63 = vector.broadcast %broadcast_in_dim3A_62 : f32 to vector<16xf32>
      %mul3A_64 = arith.constant 16 : i32
      %mul3A_65 = arith.muli %scan3A_61, %mul3A_64 : i32
      %swap3A_66 = arith.index_cast %mul3A_65 : i32 to index
      %swap3A_67 = tpu.vector_load %arg8[%swap3A_66] {strides = array<i32>} : memref<30000xf32, #tpu.memory_space<vmem>>, vector<16xf32>,
      tpu.vector_store %arg8[%swap3A_66], %broadcast_in_dim3A_63 {strides = array<i32>} : memref<30000xf32, #tpu.memory_space<vmem>>, vector<16xf32>,
      %scan3A_68 = arith.constant 4 : i32
      %scan3A_69 = arith.addi %scan3A_37, %scan3A_68 : i32
      %broadcast_in_dim3A_70 = arith.constant 0.000000e+00 : f32
      %broadcast_in_dim3A_71 = vector.broadcast %broadcast_in_dim3A_70 : f32 to vector<16xf32>
      %mul3A_72 = arith.constant 16 : i32
      %mul3A_73 = arith.muli %scan3A_69, %mul3A_72 : i32
      %swap3A_74 = arith.index_cast %mul3A_73 : i32 to index
      %swap3A_75 = tpu.vector_load %arg8[%swap3A_74] {strides = array<i32>} : memref<30000xf32, #tpu.memory_space<vmem>>, vector<16xf32>,
      tpu.vector_store %arg8[%swap3A_74], %broadcast_in_dim3A_71 {strides = array<i32>} : memref<30000xf32, #tpu.memory_space<vmem>>, vector<16xf32>,
      %scan3A_76 = arith.constant 5 : i32
      %scan3A_77 = arith.addi %scan3A_37, %scan3A_76 : i32
      %broadcast_in_dim3A_78 = arith.constant 0.000000e+00 : f32
      %broadcast_in_dim3A_79 = vector.broadcast %broadcast_in_dim3A_78 : f32 to vector<16xf32>
      %mul3A_80 = arith.constant 16 : i32
      %mul3A_81 = arith.muli %scan3A_77, %mul3A_80 : i32
      %swap3A_82 = arith.index_cast %mul3A_81 : i32 to index
      %swap3A_83 = tpu.vector_load %arg8[%swap3A_82] {strides = array<i32>} : memref<30000xf32, #tpu.memory_space<vmem>>, vector<16xf32>,
      tpu.vector_store %arg8[%swap3A_82], %broadcast_in_dim3A_79 {strides = array<i32>} : memref<30000xf32, #tpu.memory_space<vmem>>, vector<16xf32>,
      %scan3A_84 = arith.constant 6 : i32
      %scan3A_85 = arith.addi %scan3A_37, %scan3A_84 : i32
      %broadcast_in_dim3A_86 = arith.constant 0.000000e+00 : f32
      %broadcast_in_dim3A_87 = vector.broadcast %broadcast_in_dim3A_86 : f32 to vector<16xf32>
      %mul3A_88 = arith.constant 16 : i32
      %mul3A_89 = arith.muli %scan3A_85, %mul3A_88 : i32
      %swap3A_90 = arith.index_cast %mul3A_89 : i32 to index
      %swap3A_91 = tpu.vector_load %arg8[%swap3A_90] {strides = array<i32>} : memref<30000xf32, #tpu.memory_space<vmem>>, vector<16xf32>,
      tpu.vector_store %arg8[%swap3A_90], %broadcast_in_dim3A_87 {strides = array<i32>} : memref<30000xf32, #tpu.memory_space<vmem>>, vector<16xf32>,
      %scan3A_92 = arith.constant 7 : i32
      %scan3A_93 = arith.addi %scan3A_37, %scan3A_92 : i32
      %broadcast_in_dim3A_94 = arith.constant 0.000000e+00 : f32
      %broadcast_in_dim3A_95 = vector.broadcast %broadcast_in_dim3A_94 : f32 to vector<16xf32>
      %mul3A_96 = arith.constant 16 : i32
      %mul3A_97 = arith.muli %scan3A_93, %mul3A_96 : i32
      %swap3A_98 = arith.index_cast %mul3A_97 : i32 to index
      %swap3A_99 = tpu.vector_load %arg8[%swap3A_98] {strides = array<i32>} : memref<30000xf32, #tpu.memory_space<vmem>>, vector<16xf32>,
      tpu.vector_store %arg8[%swap3A_98], %broadcast_in_dim3A_95 {strides = array<i32>} : memref<30000xf32, #tpu.memory_space<vmem>>, vector<16xf32>,
    }
    %scan3A_10 = arith.constant 1872 : i32
    %scan3A_11 = arith.addi %scan3A_6, %scan3A_10 : i32
    %broadcast_in_dim3A = arith.constant 0.000000e+00 : f32
    %broadcast_in_dim3A_12 = vector.broadcast %broadcast_in_dim3A : f32 to vector<16xf32>
    %mul3A_13 = arith.constant 16 : i32
    %mul3A_14 = arith.muli %scan3A_11, %mul3A_13 : i32
    %swap3A = arith.index_cast %mul3A_14 : i32 to index
    %swap3A_15 = tpu.vector_load %arg8[%swap3A] {strides = array<i32>} : memref<30000xf32, #tpu.memory_space<vmem>>, vector<16xf32>,
    tpu.vector_store %arg8[%swap3A], %broadcast_in_dim3A_12 {strides = array<i32>} : memref<30000xf32, #tpu.memory_space<vmem>>, vector<16xf32>,
    %scan3A_16 = arith.constant 1873 : i32
    %scan3A_17 = arith.addi %scan3A_6, %scan3A_16 : i32
    %broadcast_in_dim3A_18 = arith.constant 0.000000e+00 : f32
    %broadcast_in_dim3A_19 = vector.broadcast %broadcast_in_dim3A_18 : f32 to vector<16xf32>
    %mul3A_20 = arith.constant 16 : i32
    %mul3A_21 = arith.muli %scan3A_17, %mul3A_20 : i32
    %swap3A_22 = arith.index_cast %mul3A_21 : i32 to index
    %swap3A_23 = tpu.vector_load %arg8[%swap3A_22] {strides = array<i32>} : memref<30000xf32, #tpu.memory_space<vmem>>, vector<16xf32>,
    tpu.vector_store %arg8[%swap3A_22], %broadcast_in_dim3A_19 {strides = array<i32>} : memref<30000xf32, #tpu.memory_space<vmem>>, vector<16xf32>,
    %scan3A_24 = arith.constant 1874 : i32
    %scan3A_25 = arith.addi %scan3A_6, %scan3A_24 : i32
    %broadcast_in_dim3A_26 = arith.constant 0.000000e+00 : f32
    %broadcast_in_dim3A_27 = vector.broadcast %broadcast_in_dim3A_26 : f32 to vector<16xf32>
    %mul3A_28 = arith.constant 16 : i32
    %mul3A_29 = arith.muli %scan3A_25, %mul3A_28 : i32
    %swap3A_30 = arith.index_cast %mul3A_29 : i32 to index
    %swap3A_31 = tpu.vector_load %arg8[%swap3A_30] {strides = array<i32>} : memref<30000xf32, #tpu.memory_space<vmem>>, vector<16xf32>,
    tpu.vector_store %arg8[%swap3A_30], %broadcast_in_dim3A_27 {strides = array<i32>} : memref<30000xf32, #tpu.memory_space<vmem>>, vector<16xf32>,
    %scan3A_32 = arith.constant 1875 : i32
    %parallel_loop3A = arith.constant 0 : i32
    %parallel_loop3A_33 = arith.constant 625 : i32
    %parallel_loop3A_34 = arith.constant 1 : i32
    scf.for %parallel_loop3A_37 = %parallel_loop3A to %parallel_loop3A_33 step %parallel_loop3A_34  : i32 {
      %parallel_loop3A_38 = arith.constant 16 : i32
      %parallel_loop3A_39 = arith.muli %parallel_loop3A_37, %parallel_loop3A_38 : i32
      %parallel_loop3A_40 = arith.index_cast %parallel_loop3A_39 : i32 to index
      %parallel_loop3A_41 = tpu.vector_load %arg5[%parallel_loop3A_40] {strides = array<i32>} : memref<10000xi32, #tpu.memory_space<vmem>>, vector<16xi32>,
      %parallel_loop3A_42 = arith.constant 16 : i32
      %parallel_loop3A_43 = arith.muli %parallel_loop3A_37, %parallel_loop3A_42 : i32
      %parallel_loop3A_44 = arith.index_cast %parallel_loop3A_43 : i32 to index
      %parallel_loop3A_45 = tpu.vector_load %arg6[%parallel_loop3A_44] {strides = array<i32>} : memref<10000xi32, #tpu.memory_space<vmem>>, vector<16xi32>,
      %parallel_loop3A_46 = arith.constant 0 : i32
      %parallel_loop3A_47 = vector.broadcast %parallel_loop3A_46 : i32 to vector<16xi32>
      %parallel_loop3A_48 = arith.addi %parallel_loop3A_41, %parallel_loop3A_47 : vector<16xi32>
      %parallel_loop3A_49 = tpu.vector_load_idx %arg7[%parallel_loop3A_48] : memref<30000xf32, #tpu.memory_space<vmem>>[vector<16xi32>], vector<16xf32>,
      %parallel_loop3A_50 = arith.constant 0 : i32
      %parallel_loop3A_51 = vector.broadcast %parallel_loop3A_50 : i32 to vector<16xi32>
      %parallel_loop3A_52 = arith.addi %parallel_loop3A_45, %parallel_loop3A_51 : vector<16xi32>
      tpu.vector_store_idx %arg8[%parallel_loop3A_52], %parallel_loop3A_49 {add = true} : memref<30000xf32, #tpu.memory_space<vmem>>[vector<16xi32>], vector<16xf32>,
      %parallel_loop3A_53 = arith.constant 10000 : i32
      %parallel_loop3A_54 = vector.broadcast %parallel_loop3A_53 : i32 to vector<16xi32>
      %parallel_loop3A_55 = arith.addi %parallel_loop3A_41, %parallel_loop3A_54 : vector<16xi32>
      %parallel_loop3A_56 = tpu.vector_load_idx %arg7[%parallel_loop3A_55] : memref<30000xf32, #tpu.memory_space<vmem>>[vector<16xi32>], vector<16xf32>,
      %parallel_loop3A_57 = arith.constant 10000 : i32
      %parallel_loop3A_58 = vector.broadcast %parallel_loop3A_57 : i32 to vector<16xi32>
      %parallel_loop3A_59 = arith.addi %parallel_loop3A_45, %parallel_loop3A_58 : vector<16xi32>
      tpu.vector_store_idx %arg8[%parallel_loop3A_59], %parallel_loop3A_56 {add = true} : memref<30000xf32, #tpu.memory_space<vmem>>[vector<16xi32>], vector<16xf32>,
      %parallel_loop3A_60 = arith.constant 20000 : i32
      %parallel_loop3A_61 = vector.broadcast %parallel_loop3A_60 : i32 to vector<16xi32>
      %parallel_loop3A_62 = arith.addi %parallel_loop3A_41, %parallel_loop3A_61 : vector<16xi32>
      %parallel_loop3A_63 = tpu.vector_load_idx %arg7[%parallel_loop3A_62] : memref<30000xf32, #tpu.memory_space<vmem>>[vector<16xi32>], vector<16xf32>,
      %parallel_loop3A_64 = arith.constant 20000 : i32
      %parallel_loop3A_65 = vector.broadcast %parallel_loop3A_64 : i32 to vector<16xi32>
      %parallel_loop3A_66 = arith.addi %parallel_loop3A_45, %parallel_loop3A_65 : vector<16xi32>
      tpu.vector_store_idx %arg8[%parallel_loop3A_66], %parallel_loop3A_63 {add = true} : memref<30000xf32, #tpu.memory_space<vmem>>[vector<16xi32>], vector<16xf32>,
    } {sc.loop_unroll_factor = 8 : i64, sc.parallel_access}
    %mul3A_35 = arith.constant 30000 : i32
    %mul3A_36 = arith.muli %add3A, %mul3A_35 : i32
    "tpu.region"() ({
      %run_scoped3A_37 = tpu.sem_alloc : memref<!tpu.dma_semaphore, #tpu.memory_space<semaphore_mem>>
      %dma_start3A = tpu.memref_slice %arg4[%mul3A_36] : memref<960000xf32, #tpu.memory_space<hbm>> -> memref<30000xf32, #tpu.memory_space<hbm>>
      %dma_start3A_38 = tpu.memref_slice %arg4[%mul3A_36] : memref<960000xf32, #tpu.memory_space<hbm>> -> memref<30000xf32, #tpu.memory_space<hbm>>
      tpu.enqueue_dma source(%arg8 : memref<30000xf32, #tpu.memory_space<vmem>>) target(%dma_start3A_38 : memref<30000xf32, #tpu.memory_space<hbm>>) target_semaphore(%run_scoped3A_37 : memref<!tpu.dma_semaphore, #tpu.memory_space<semaphore_mem>>)
      %dma_wait3A = tpu.memref_slice %arg4[%mul3A_36] : memref<960000xf32, #tpu.memory_space<hbm>> -> memref<30000xf32, #tpu.memory_space<hbm>>
      %dma_wait3A_39 = tpu.memref_slice %arg4[%mul3A_36] : memref<960000xf32, #tpu.memory_space<hbm>> -> memref<30000xf32, #tpu.memory_space<hbm>>
      tpu.wait_dma2 semaphore(%run_scoped3A_37 : memref<!tpu.dma_semaphore, #tpu.memory_space<semaphore_mem>>) src(%arg8 : memref<30000xf32, #tpu.memory_space<vmem>>) dst(%dma_wait3A_39 : memref<30000xf32, #tpu.memory_space<hbm>>)
      tpu.yield
    }) : () -> ()
    return
  }
}

module attributes {stable_mosaic.version = 14 : i64} {
  func.func @_scale_body(%arg0: memref<3x10000xf32, #tpu.memory_space<vmem>>, %arg1: memref<320000xf32, #tpu.memory_space<vmem>>, %arg2: memref<30000xf32, #tpu.memory_space<vmem>>, %arg3: memref<10000xf32, #tpu.memory_space<vmem>>) attributes {dimension_semantics = [], scalar_prefetch = 0 : i64, scratch_operands = 0 : i64, tpu.core_type = #tpu.core_type<tc>} {
    %get3A = arith.constant 0 : index
    %get3A_0 = vector.load %arg1[%get3A] : memref<320000xf32, #tpu.memory_space<vmem>>, vector<10000xf32>
    %get3A_1 = arith.constant 10000 : index
    %get3A_2 = vector.load %arg1[%get3A_1] : memref<320000xf32, #tpu.memory_space<vmem>>, vector<10000xf32>
    %add3A = arith.addf %get3A_0, %get3A_2 : vector<10000xf32>
    %get3A_3 = arith.constant 20000 : index
    %get3A_4 = vector.load %arg1[%get3A_3] : memref<320000xf32, #tpu.memory_space<vmem>>, vector<10000xf32>
    %add3A_5 = arith.addf %add3A, %get3A_4 : vector<10000xf32>
    %get3A_6 = arith.constant 30000 : index
    %get3A_7 = vector.load %arg1[%get3A_6] : memref<320000xf32, #tpu.memory_space<vmem>>, vector<10000xf32>
    %add3A_8 = arith.addf %add3A_5, %get3A_7 : vector<10000xf32>
    %get3A_9 = arith.constant 40000 : index
    %get3A_10 = vector.load %arg1[%get3A_9] : memref<320000xf32, #tpu.memory_space<vmem>>, vector<10000xf32>
    %add3A_11 = arith.addf %add3A_8, %get3A_10 : vector<10000xf32>
    %get3A_12 = arith.constant 50000 : index
    %get3A_13 = vector.load %arg1[%get3A_12] : memref<320000xf32, #tpu.memory_space<vmem>>, vector<10000xf32>
    %add3A_14 = arith.addf %add3A_11, %get3A_13 : vector<10000xf32>
    %get3A_15 = arith.constant 60000 : index
    %get3A_16 = vector.load %arg1[%get3A_15] : memref<320000xf32, #tpu.memory_space<vmem>>, vector<10000xf32>
    %add3A_17 = arith.addf %add3A_14, %get3A_16 : vector<10000xf32>
    %get3A_18 = arith.constant 70000 : index
    %get3A_19 = vector.load %arg1[%get3A_18] : memref<320000xf32, #tpu.memory_space<vmem>>, vector<10000xf32>
    %add3A_20 = arith.addf %add3A_17, %get3A_19 : vector<10000xf32>
    %get3A_21 = arith.constant 80000 : index
    %get3A_22 = vector.load %arg1[%get3A_21] : memref<320000xf32, #tpu.memory_space<vmem>>, vector<10000xf32>
    %add3A_23 = arith.addf %add3A_20, %get3A_22 : vector<10000xf32>
    %get3A_24 = arith.constant 90000 : index
    %get3A_25 = vector.load %arg1[%get3A_24] : memref<320000xf32, #tpu.memory_space<vmem>>, vector<10000xf32>
    %add3A_26 = arith.addf %add3A_23, %get3A_25 : vector<10000xf32>
    %get3A_27 = arith.constant 100000 : index
    %get3A_28 = vector.load %arg1[%get3A_27] : memref<320000xf32, #tpu.memory_space<vmem>>, vector<10000xf32>
    %add3A_29 = arith.addf %add3A_26, %get3A_28 : vector<10000xf32>
    %get3A_30 = arith.constant 110000 : index
    %get3A_31 = vector.load %arg1[%get3A_30] : memref<320000xf32, #tpu.memory_space<vmem>>, vector<10000xf32>
    %add3A_32 = arith.addf %add3A_29, %get3A_31 : vector<10000xf32>
    %get3A_33 = arith.constant 120000 : index
    %get3A_34 = vector.load %arg1[%get3A_33] : memref<320000xf32, #tpu.memory_space<vmem>>, vector<10000xf32>
    %add3A_35 = arith.addf %add3A_32, %get3A_34 : vector<10000xf32>
    %get3A_36 = arith.constant 130000 : index
    %get3A_37 = vector.load %arg1[%get3A_36] : memref<320000xf32, #tpu.memory_space<vmem>>, vector<10000xf32>
    %add3A_38 = arith.addf %add3A_35, %get3A_37 : vector<10000xf32>
    %get3A_39 = arith.constant 140000 : index
    %get3A_40 = vector.load %arg1[%get3A_39] : memref<320000xf32, #tpu.memory_space<vmem>>, vector<10000xf32>
    %add3A_41 = arith.addf %add3A_38, %get3A_40 : vector<10000xf32>
    %get3A_42 = arith.constant 150000 : index
    %get3A_43 = vector.load %arg1[%get3A_42] : memref<320000xf32, #tpu.memory_space<vmem>>, vector<10000xf32>
    %add3A_44 = arith.addf %add3A_41, %get3A_43 : vector<10000xf32>
    %get3A_45 = arith.constant 160000 : index
    %get3A_46 = vector.load %arg1[%get3A_45] : memref<320000xf32, #tpu.memory_space<vmem>>, vector<10000xf32>
    %add3A_47 = arith.addf %add3A_44, %get3A_46 : vector<10000xf32>
    %get3A_48 = arith.constant 170000 : index
    %get3A_49 = vector.load %arg1[%get3A_48] : memref<320000xf32, #tpu.memory_space<vmem>>, vector<10000xf32>
    %add3A_50 = arith.addf %add3A_47, %get3A_49 : vector<10000xf32>
    %get3A_51 = arith.constant 180000 : index
    %get3A_52 = vector.load %arg1[%get3A_51] : memref<320000xf32, #tpu.memory_space<vmem>>, vector<10000xf32>
    %add3A_53 = arith.addf %add3A_50, %get3A_52 : vector<10000xf32>
    %get3A_54 = arith.constant 190000 : index
    %get3A_55 = vector.load %arg1[%get3A_54] : memref<320000xf32, #tpu.memory_space<vmem>>, vector<10000xf32>
    %add3A_56 = arith.addf %add3A_53, %get3A_55 : vector<10000xf32>
    %get3A_57 = arith.constant 200000 : index
    %get3A_58 = vector.load %arg1[%get3A_57] : memref<320000xf32, #tpu.memory_space<vmem>>, vector<10000xf32>
    %add3A_59 = arith.addf %add3A_56, %get3A_58 : vector<10000xf32>
    %get3A_60 = arith.constant 210000 : index
    %get3A_61 = vector.load %arg1[%get3A_60] : memref<320000xf32, #tpu.memory_space<vmem>>, vector<10000xf32>
    %add3A_62 = arith.addf %add3A_59, %get3A_61 : vector<10000xf32>
    %get3A_63 = arith.constant 220000 : index
    %get3A_64 = vector.load %arg1[%get3A_63] : memref<320000xf32, #tpu.memory_space<vmem>>, vector<10000xf32>
    %add3A_65 = arith.addf %add3A_62, %get3A_64 : vector<10000xf32>
    %get3A_66 = arith.constant 230000 : index
    %get3A_67 = vector.load %arg1[%get3A_66] : memref<320000xf32, #tpu.memory_space<vmem>>, vector<10000xf32>
    %add3A_68 = arith.addf %add3A_65, %get3A_67 : vector<10000xf32>
    %get3A_69 = arith.constant 240000 : index
    %get3A_70 = vector.load %arg1[%get3A_69] : memref<320000xf32, #tpu.memory_space<vmem>>, vector<10000xf32>
    %add3A_71 = arith.addf %add3A_68, %get3A_70 : vector<10000xf32>
    %get3A_72 = arith.constant 250000 : index
    %get3A_73 = vector.load %arg1[%get3A_72] : memref<320000xf32, #tpu.memory_space<vmem>>, vector<10000xf32>
    %add3A_74 = arith.addf %add3A_71, %get3A_73 : vector<10000xf32>
    %get3A_75 = arith.constant 260000 : index
    %get3A_76 = vector.load %arg1[%get3A_75] : memref<320000xf32, #tpu.memory_space<vmem>>, vector<10000xf32>
    %add3A_77 = arith.addf %add3A_74, %get3A_76 : vector<10000xf32>
    %get3A_78 = arith.constant 270000 : index
    %get3A_79 = vector.load %arg1[%get3A_78] : memref<320000xf32, #tpu.memory_space<vmem>>, vector<10000xf32>
    %add3A_80 = arith.addf %add3A_77, %get3A_79 : vector<10000xf32>
    %get3A_81 = arith.constant 280000 : index
    %get3A_82 = vector.load %arg1[%get3A_81] : memref<320000xf32, #tpu.memory_space<vmem>>, vector<10000xf32>
    %add3A_83 = arith.addf %add3A_80, %get3A_82 : vector<10000xf32>
    %get3A_84 = arith.constant 290000 : index
    %get3A_85 = vector.load %arg1[%get3A_84] : memref<320000xf32, #tpu.memory_space<vmem>>, vector<10000xf32>
    %add3A_86 = arith.addf %add3A_83, %get3A_85 : vector<10000xf32>
    %get3A_87 = arith.constant 300000 : index
    %get3A_88 = vector.load %arg1[%get3A_87] : memref<320000xf32, #tpu.memory_space<vmem>>, vector<10000xf32>
    %add3A_89 = arith.addf %add3A_86, %get3A_88 : vector<10000xf32>
    %get3A_90 = arith.constant 310000 : index
    %get3A_91 = vector.load %arg1[%get3A_90] : memref<320000xf32, #tpu.memory_space<vmem>>, vector<10000xf32>
    %add3A_92 = arith.addf %add3A_89, %get3A_91 : vector<10000xf32>
    %add3A_93 = arith.constant 1.000000e+00 : f32
    %add3A_94 = vector.broadcast %add3A_93 : f32 to vector<10000xf32>
    %add3A_95 = arith.addf %add3A_92, %add3A_94 : vector<10000xf32>
    %rsqrt3A = math.rsqrt %add3A_95 : vector<10000xf32>
    %swap3A = arith.constant 0 : index
    %swap3A_96 = vector.load %arg3[%swap3A] : memref<10000xf32, #tpu.memory_space<vmem>>, vector<10000xf32>
    tpu.vector_store %arg3[%swap3A], %rsqrt3A {strides = array<i32>} : memref<10000xf32, #tpu.memory_space<vmem>>, vector<10000xf32>,
    %get3A_97 = arith.constant 0 : index
    %get3A_98 = arith.constant 0 : index
    %get3A_99 = vector.load %arg0[%get3A_97, %get3A_98] : memref<3x10000xf32, #tpu.memory_space<vmem>>, vector<1x10000xf32>
    %get3A_100 = vector.shape_cast %get3A_99 : vector<1x10000xf32> to vector<10000xf32>
    %mul3A = arith.mulf %get3A_100, %rsqrt3A : vector<10000xf32>
    %swap3A_101 = arith.constant 0 : index
    %swap3A_102 = vector.load %arg2[%swap3A_101] : memref<30000xf32, #tpu.memory_space<vmem>>, vector<10000xf32>
    tpu.vector_store %arg2[%swap3A_101], %mul3A {strides = array<i32>} : memref<30000xf32, #tpu.memory_space<vmem>>, vector<10000xf32>,
    %get3A_103 = arith.constant 1 : index
    %get3A_104 = arith.constant 0 : index
    %get3A_105 = vector.load %arg0[%get3A_103, %get3A_104] : memref<3x10000xf32, #tpu.memory_space<vmem>>, vector<1x10000xf32>
    %get3A_106 = vector.shape_cast %get3A_105 : vector<1x10000xf32> to vector<10000xf32>
    %mul3A_107 = arith.mulf %get3A_106, %rsqrt3A : vector<10000xf32>
    %swap3A_108 = arith.constant 10000 : index
    %swap3A_109 = vector.load %arg2[%swap3A_108] : memref<30000xf32, #tpu.memory_space<vmem>>, vector<10000xf32>
    tpu.vector_store %arg2[%swap3A_108], %mul3A_107 {strides = array<i32>} : memref<30000xf32, #tpu.memory_space<vmem>>, vector<10000xf32>,
    %get3A_110 = arith.constant 2 : index
    %get3A_111 = arith.constant 0 : index
    %get3A_112 = vector.load %arg0[%get3A_110, %get3A_111] : memref<3x10000xf32, #tpu.memory_space<vmem>>, vector<1x10000xf32>
    %get3A_113 = vector.shape_cast %get3A_112 : vector<1x10000xf32> to vector<10000xf32>
    %mul3A_114 = arith.mulf %get3A_113, %rsqrt3A : vector<10000xf32>
    %swap3A_115 = arith.constant 20000 : index
    %swap3A_116 = vector.load %arg2[%swap3A_115] : memref<30000xf32, #tpu.memory_space<vmem>>, vector<10000xf32>
    tpu.vector_store %arg2[%swap3A_115], %mul3A_114 {strides = array<i32>} : memref<30000xf32, #tpu.memory_space<vmem>>, vector<10000xf32>,
    return
  }
}

module attributes {stable_mosaic.version = 14 : i64} {
  func.func @_mm1_body(%arg0: memref<10000x128xf32, #tpu.memory_space<vmem>>, %arg1: memref<128x3xf32, #tpu.memory_space<vmem>>, %arg2: memref<3x10000xf32, #tpu.memory_space<vmem>>) attributes {dimension_semantics = [], scalar_prefetch = 0 : i64, scratch_operands = 0 : i64, tpu.core_type = #tpu.core_type<tc>} {
    %get3A = arith.constant 0 : index
    %get3A_0 = arith.constant 0 : index
    %get3A_1 = vector.load %arg0[%get3A, %get3A_0] : memref<10000x128xf32, #tpu.memory_space<vmem>>, vector<10000x128xf32>
    %get3A_2 = arith.constant 0 : index
    %get3A_3 = arith.constant 0 : index
    %get3A_4 = vector.load %arg1[%get3A_2, %get3A_3] : memref<128x3xf32, #tpu.memory_space<vmem>>, vector<128x3xf32>
    %dot_general3A = arith.constant dense<0.000000e+00> : vector<10000x3xf32>
    %dot_general3A_5 = tpu.matmul %get3A_1, %get3A_4, %dot_general3A {dimension_numbers = #tpu.dot_dimension_numbers<[1], [0], [0], [1], [0, 0, 1, 1], [], []>, transpose_lhs_hint = false} : vector<10000x128xf32>, vector<128x3xf32>, vector<10000x3xf32> -> vector<10000x3xf32>
    %transpose3A = tpu.transpose %dot_general3A_5, [1, 0] : vector<10000x3xf32> -> vector<3x10000xf32>
    %swap3A = arith.constant 0 : index
    %swap3A_6 = arith.constant 0 : index
    %swap3A_7 = vector.load %arg2[%swap3A, %swap3A_6] : memref<3x10000xf32, #tpu.memory_space<vmem>>, vector<3x10000xf32>
    tpu.vector_store %arg2[%swap3A, %swap3A_6], %transpose3A {strides = array<i32>} : memref<3x10000xf32, #tpu.memory_space<vmem>>, vector<3x10000xf32>,
    return
  }
}

module attributes {stable_mosaic.version = 14 : i64} {
  func.func @_dense2_body(%arg0: memref<960000xf32, #tpu.memory_space<vmem>>, %arg1: memref<30000xf32, #tpu.memory_space<vmem>>, %arg2: memref<10000xf32, #tpu.memory_space<vmem>>, %arg3: memref<3xf32, #tpu.memory_space<vmem>>, %arg4: memref<10x3xf32, #tpu.memory_space<vmem>>, %arg5: memref<10x1xf32, #tpu.memory_space<vmem>>, %arg6: memref<3x10000xf32, #tpu.memory_space<vmem>>, %arg7: memref<10x10000xf32, #tpu.memory_space<vmem>>) attributes {dimension_semantics = [], scalar_prefetch = 0 : i64, scratch_operands = 0 : i64, tpu.core_type = #tpu.core_type<tc>} {
    %get3A = arith.constant 0 : index
    %get3A_0 = vector.load %arg2[%get3A] : memref<10000xf32, #tpu.memory_space<vmem>>, vector<10000xf32>
    %get3A_1 = arith.constant 0 : index
    %get3A_2 = vector.load %arg0[%get3A_1] : memref<960000xf32, #tpu.memory_space<vmem>>, vector<10000xf32>
    %get3A_3 = arith.constant 30000 : index
    %get3A_4 = vector.load %arg0[%get3A_3] : memref<960000xf32, #tpu.memory_space<vmem>>, vector<10000xf32>
    %add3A = arith.addf %get3A_2, %get3A_4 : vector<10000xf32>
    %get3A_5 = arith.constant 60000 : index
    %get3A_6 = vector.load %arg0[%get3A_5] : memref<960000xf32, #tpu.memory_space<vmem>>, vector<10000xf32>
    %add3A_7 = arith.addf %add3A, %get3A_6 : vector<10000xf32>
    %get3A_8 = arith.constant 90000 : index
    %get3A_9 = vector.load %arg0[%get3A_8] : memref<960000xf32, #tpu.memory_space<vmem>>, vector<10000xf32>
    %add3A_10 = arith.addf %add3A_7, %get3A_9 : vector<10000xf32>
    %get3A_11 = arith.constant 120000 : index
    %get3A_12 = vector.load %arg0[%get3A_11] : memref<960000xf32, #tpu.memory_space<vmem>>, vector<10000xf32>
    %add3A_13 = arith.addf %add3A_10, %get3A_12 : vector<10000xf32>
    %get3A_14 = arith.constant 150000 : index
    %get3A_15 = vector.load %arg0[%get3A_14] : memref<960000xf32, #tpu.memory_space<vmem>>, vector<10000xf32>
    %add3A_16 = arith.addf %add3A_13, %get3A_15 : vector<10000xf32>
    %get3A_17 = arith.constant 180000 : index
    %get3A_18 = vector.load %arg0[%get3A_17] : memref<960000xf32, #tpu.memory_space<vmem>>, vector<10000xf32>
    %add3A_19 = arith.addf %add3A_16, %get3A_18 : vector<10000xf32>
    %get3A_20 = arith.constant 210000 : index
    %get3A_21 = vector.load %arg0[%get3A_20] : memref<960000xf32, #tpu.memory_space<vmem>>, vector<10000xf32>
    %add3A_22 = arith.addf %add3A_19, %get3A_21 : vector<10000xf32>
    %get3A_23 = arith.constant 240000 : index
    %get3A_24 = vector.load %arg0[%get3A_23] : memref<960000xf32, #tpu.memory_space<vmem>>, vector<10000xf32>
    %add3A_25 = arith.addf %add3A_22, %get3A_24 : vector<10000xf32>
    %get3A_26 = arith.constant 270000 : index
    %get3A_27 = vector.load %arg0[%get3A_26] : memref<960000xf32, #tpu.memory_space<vmem>>, vector<10000xf32>
    %add3A_28 = arith.addf %add3A_25, %get3A_27 : vector<10000xf32>
    %get3A_29 = arith.constant 300000 : index
    %get3A_30 = vector.load %arg0[%get3A_29] : memref<960000xf32, #tpu.memory_space<vmem>>, vector<10000xf32>
    %add3A_31 = arith.addf %add3A_28, %get3A_30 : vector<10000xf32>
    %get3A_32 = arith.constant 330000 : index
    %get3A_33 = vector.load %arg0[%get3A_32] : memref<960000xf32, #tpu.memory_space<vmem>>, vector<10000xf32>
    %add3A_34 = arith.addf %add3A_31, %get3A_33 : vector<10000xf32>
    %get3A_35 = arith.constant 360000 : index
    %get3A_36 = vector.load %arg0[%get3A_35] : memref<960000xf32, #tpu.memory_space<vmem>>, vector<10000xf32>
    %add3A_37 = arith.addf %add3A_34, %get3A_36 : vector<10000xf32>
    %get3A_38 = arith.constant 390000 : index
    %get3A_39 = vector.load %arg0[%get3A_38] : memref<960000xf32, #tpu.memory_space<vmem>>, vector<10000xf32>
    %add3A_40 = arith.addf %add3A_37, %get3A_39 : vector<10000xf32>
    %get3A_41 = arith.constant 420000 : index
    %get3A_42 = vector.load %arg0[%get3A_41] : memref<960000xf32, #tpu.memory_space<vmem>>, vector<10000xf32>
    %add3A_43 = arith.addf %add3A_40, %get3A_42 : vector<10000xf32>
    %get3A_44 = arith.constant 450000 : index
    %get3A_45 = vector.load %arg0[%get3A_44] : memref<960000xf32, #tpu.memory_space<vmem>>, vector<10000xf32>
    %add3A_46 = arith.addf %add3A_43, %get3A_45 : vector<10000xf32>
    %get3A_47 = arith.constant 480000 : index
    %get3A_48 = vector.load %arg0[%get3A_47] : memref<960000xf32, #tpu.memory_space<vmem>>, vector<10000xf32>
    %add3A_49 = arith.addf %add3A_46, %get3A_48 : vector<10000xf32>
    %get3A_50 = arith.constant 510000 : index
    %get3A_51 = vector.load %arg0[%get3A_50] : memref<960000xf32, #tpu.memory_space<vmem>>, vector<10000xf32>
    %add3A_52 = arith.addf %add3A_49, %get3A_51 : vector<10000xf32>
    %get3A_53 = arith.constant 540000 : index
    %get3A_54 = vector.load %arg0[%get3A_53] : memref<960000xf32, #tpu.memory_space<vmem>>, vector<10000xf32>
    %add3A_55 = arith.addf %add3A_52, %get3A_54 : vector<10000xf32>
    %get3A_56 = arith.constant 570000 : index
    %get3A_57 = vector.load %arg0[%get3A_56] : memref<960000xf32, #tpu.memory_space<vmem>>, vector<10000xf32>
    %add3A_58 = arith.addf %add3A_55, %get3A_57 : vector<10000xf32>
    %get3A_59 = arith.constant 600000 : index
    %get3A_60 = vector.load %arg0[%get3A_59] : memref<960000xf32, #tpu.memory_space<vmem>>, vector<10000xf32>
    %add3A_61 = arith.addf %add3A_58, %get3A_60 : vector<10000xf32>
    %get3A_62 = arith.constant 630000 : index
    %get3A_63 = vector.load %arg0[%get3A_62] : memref<960000xf32, #tpu.memory_space<vmem>>, vector<10000xf32>
    %add3A_64 = arith.addf %add3A_61, %get3A_63 : vector<10000xf32>
    %get3A_65 = arith.constant 660000 : index
    %get3A_66 = vector.load %arg0[%get3A_65] : memref<960000xf32, #tpu.memory_space<vmem>>, vector<10000xf32>
    %add3A_67 = arith.addf %add3A_64, %get3A_66 : vector<10000xf32>
    %get3A_68 = arith.constant 690000 : index
    %get3A_69 = vector.load %arg0[%get3A_68] : memref<960000xf32, #tpu.memory_space<vmem>>, vector<10000xf32>
    %add3A_70 = arith.addf %add3A_67, %get3A_69 : vector<10000xf32>
    %get3A_71 = arith.constant 720000 : index
    %get3A_72 = vector.load %arg0[%get3A_71] : memref<960000xf32, #tpu.memory_space<vmem>>, vector<10000xf32>
    %add3A_73 = arith.addf %add3A_70, %get3A_72 : vector<10000xf32>
    %get3A_74 = arith.constant 750000 : index
    %get3A_75 = vector.load %arg0[%get3A_74] : memref<960000xf32, #tpu.memory_space<vmem>>, vector<10000xf32>
    %add3A_76 = arith.addf %add3A_73, %get3A_75 : vector<10000xf32>
    %get3A_77 = arith.constant 780000 : index
    %get3A_78 = vector.load %arg0[%get3A_77] : memref<960000xf32, #tpu.memory_space<vmem>>, vector<10000xf32>
    %add3A_79 = arith.addf %add3A_76, %get3A_78 : vector<10000xf32>
    %get3A_80 = arith.constant 810000 : index
    %get3A_81 = vector.load %arg0[%get3A_80] : memref<960000xf32, #tpu.memory_space<vmem>>, vector<10000xf32>
    %add3A_82 = arith.addf %add3A_79, %get3A_81 : vector<10000xf32>
    %get3A_83 = arith.constant 840000 : index
    %get3A_84 = vector.load %arg0[%get3A_83] : memref<960000xf32, #tpu.memory_space<vmem>>, vector<10000xf32>
    %add3A_85 = arith.addf %add3A_82, %get3A_84 : vector<10000xf32>
    %get3A_86 = arith.constant 870000 : index
    %get3A_87 = vector.load %arg0[%get3A_86] : memref<960000xf32, #tpu.memory_space<vmem>>, vector<10000xf32>
    %add3A_88 = arith.addf %add3A_85, %get3A_87 : vector<10000xf32>
    %get3A_89 = arith.constant 900000 : index
    %get3A_90 = vector.load %arg0[%get3A_89] : memref<960000xf32, #tpu.memory_space<vmem>>, vector<10000xf32>
    %add3A_91 = arith.addf %add3A_88, %get3A_90 : vector<10000xf32>
    %get3A_92 = arith.constant 930000 : index
    %get3A_93 = vector.load %arg0[%get3A_92] : memref<960000xf32, #tpu.memory_space<vmem>>, vector<10000xf32>
    %add3A_94 = arith.addf %add3A_91, %get3A_93 : vector<10000xf32>
    %get3A_95 = arith.constant 0 : index
    %get3A_96 = vector.load %arg1[%get3A_95] : memref<30000xf32, #tpu.memory_space<vmem>>, vector<10000xf32>
    %add3A_97 = arith.addf %add3A_94, %get3A_96 : vector<10000xf32>
    %mul3A = arith.mulf %add3A_97, %get3A_0 : vector<10000xf32>
    %get3A_98 = arith.constant 0 : index
    %get3A_99 = vector.load %arg3[%get3A_98] : memref<3xf32, #tpu.memory_space<vmem>>, vector<1xf32>
    %get3A_100 = vector.extract %get3A_99[0] : f32 from vector<1xf32>
    %add3A_101 = vector.broadcast %get3A_100 : f32 to vector<10000xf32>
    %add3A_102 = arith.addf %mul3A, %add3A_101 : vector<10000xf32>
    %max3A = arith.constant 0.000000e+00 : f32
    %max3A_103 = vector.broadcast %max3A : f32 to vector<10000xf32>
    %max3A_104 = arith.maximumf %add3A_102, %max3A_103 : vector<10000xf32>
    %get3A_105 = arith.constant 10000 : index
    %get3A_106 = vector.load %arg0[%get3A_105] : memref<960000xf32, #tpu.memory_space<vmem>>, vector<10000xf32>
    %get3A_107 = arith.constant 40000 : index
    %get3A_108 = vector.load %arg0[%get3A_107] : memref<960000xf32, #tpu.memory_space<vmem>>, vector<10000xf32>
    %add3A_109 = arith.addf %get3A_106, %get3A_108 : vector<10000xf32>
    %get3A_110 = arith.constant 70000 : index
    %get3A_111 = vector.load %arg0[%get3A_110] : memref<960000xf32, #tpu.memory_space<vmem>>, vector<10000xf32>
    %add3A_112 = arith.addf %add3A_109, %get3A_111 : vector<10000xf32>
    %get3A_113 = arith.constant 100000 : index
    %get3A_114 = vector.load %arg0[%get3A_113] : memref<960000xf32, #tpu.memory_space<vmem>>, vector<10000xf32>
    %add3A_115 = arith.addf %add3A_112, %get3A_114 : vector<10000xf32>
    %get3A_116 = arith.constant 130000 : index
    %get3A_117 = vector.load %arg0[%get3A_116] : memref<960000xf32, #tpu.memory_space<vmem>>, vector<10000xf32>
    %add3A_118 = arith.addf %add3A_115, %get3A_117 : vector<10000xf32>
    %get3A_119 = arith.constant 160000 : index
    %get3A_120 = vector.load %arg0[%get3A_119] : memref<960000xf32, #tpu.memory_space<vmem>>, vector<10000xf32>
    %add3A_121 = arith.addf %add3A_118, %get3A_120 : vector<10000xf32>
    %get3A_122 = arith.constant 190000 : index
    %get3A_123 = vector.load %arg0[%get3A_122] : memref<960000xf32, #tpu.memory_space<vmem>>, vector<10000xf32>
    %add3A_124 = arith.addf %add3A_121, %get3A_123 : vector<10000xf32>
    %get3A_125 = arith.constant 220000 : index
    %get3A_126 = vector.load %arg0[%get3A_125] : memref<960000xf32, #tpu.memory_space<vmem>>, vector<10000xf32>
    %add3A_127 = arith.addf %add3A_124, %get3A_126 : vector<10000xf32>
    %get3A_128 = arith.constant 250000 : index
    %get3A_129 = vector.load %arg0[%get3A_128] : memref<960000xf32, #tpu.memory_space<vmem>>, vector<10000xf32>
    %add3A_130 = arith.addf %add3A_127, %get3A_129 : vector<10000xf32>
    %get3A_131 = arith.constant 280000 : index
    %get3A_132 = vector.load %arg0[%get3A_131] : memref<960000xf32, #tpu.memory_space<vmem>>, vector<10000xf32>
    %add3A_133 = arith.addf %add3A_130, %get3A_132 : vector<10000xf32>
    %get3A_134 = arith.constant 310000 : index
    %get3A_135 = vector.load %arg0[%get3A_134] : memref<960000xf32, #tpu.memory_space<vmem>>, vector<10000xf32>
    %add3A_136 = arith.addf %add3A_133, %get3A_135 : vector<10000xf32>
    %get3A_137 = arith.constant 340000 : index
    %get3A_138 = vector.load %arg0[%get3A_137] : memref<960000xf32, #tpu.memory_space<vmem>>, vector<10000xf32>
    %add3A_139 = arith.addf %add3A_136, %get3A_138 : vector<10000xf32>
    %get3A_140 = arith.constant 370000 : index
    %get3A_141 = vector.load %arg0[%get3A_140] : memref<960000xf32, #tpu.memory_space<vmem>>, vector<10000xf32>
    %add3A_142 = arith.addf %add3A_139, %get3A_141 : vector<10000xf32>
    %get3A_143 = arith.constant 400000 : index
    %get3A_144 = vector.load %arg0[%get3A_143] : memref<960000xf32, #tpu.memory_space<vmem>>, vector<10000xf32>
    %add3A_145 = arith.addf %add3A_142, %get3A_144 : vector<10000xf32>
    %get3A_146 = arith.constant 430000 : index
    %get3A_147 = vector.load %arg0[%get3A_146] : memref<960000xf32, #tpu.memory_space<vmem>>, vector<10000xf32>
    %add3A_148 = arith.addf %add3A_145, %get3A_147 : vector<10000xf32>
    %get3A_149 = arith.constant 460000 : index
    %get3A_150 = vector.load %arg0[%get3A_149] : memref<960000xf32, #tpu.memory_space<vmem>>, vector<10000xf32>
    %add3A_151 = arith.addf %add3A_148, %get3A_150 : vector<10000xf32>
    %get3A_152 = arith.constant 490000 : index
    %get3A_153 = vector.load %arg0[%get3A_152] : memref<960000xf32, #tpu.memory_space<vmem>>, vector<10000xf32>
    %add3A_154 = arith.addf %add3A_151, %get3A_153 : vector<10000xf32>
    %get3A_155 = arith.constant 520000 : index
    %get3A_156 = vector.load %arg0[%get3A_155] : memref<960000xf32, #tpu.memory_space<vmem>>, vector<10000xf32>
    %add3A_157 = arith.addf %add3A_154, %get3A_156 : vector<10000xf32>
    %get3A_158 = arith.constant 550000 : index
    %get3A_159 = vector.load %arg0[%get3A_158] : memref<960000xf32, #tpu.memory_space<vmem>>, vector<10000xf32>
    %add3A_160 = arith.addf %add3A_157, %get3A_159 : vector<10000xf32>
    %get3A_161 = arith.constant 580000 : index
    %get3A_162 = vector.load %arg0[%get3A_161] : memref<960000xf32, #tpu.memory_space<vmem>>, vector<10000xf32>
    %add3A_163 = arith.addf %add3A_160, %get3A_162 : vector<10000xf32>
    %get3A_164 = arith.constant 610000 : index
    %get3A_165 = vector.load %arg0[%get3A_164] : memref<960000xf32, #tpu.memory_space<vmem>>, vector<10000xf32>
    %add3A_166 = arith.addf %add3A_163, %get3A_165 : vector<10000xf32>
    %get3A_167 = arith.constant 640000 : index
    %get3A_168 = vector.load %arg0[%get3A_167] : memref<960000xf32, #tpu.memory_space<vmem>>, vector<10000xf32>
    %add3A_169 = arith.addf %add3A_166, %get3A_168 : vector<10000xf32>
    %get3A_170 = arith.constant 670000 : index
    %get3A_171 = vector.load %arg0[%get3A_170] : memref<960000xf32, #tpu.memory_space<vmem>>, vector<10000xf32>
    %add3A_172 = arith.addf %add3A_169, %get3A_171 : vector<10000xf32>
    %get3A_173 = arith.constant 700000 : index
    %get3A_174 = vector.load %arg0[%get3A_173] : memref<960000xf32, #tpu.memory_space<vmem>>, vector<10000xf32>
    %add3A_175 = arith.addf %add3A_172, %get3A_174 : vector<10000xf32>
    %get3A_176 = arith.constant 730000 : index
    %get3A_177 = vector.load %arg0[%get3A_176] : memref<960000xf32, #tpu.memory_space<vmem>>, vector<10000xf32>
    %add3A_178 = arith.addf %add3A_175, %get3A_177 : vector<10000xf32>
    %get3A_179 = arith.constant 760000 : index
    %get3A_180 = vector.load %arg0[%get3A_179] : memref<960000xf32, #tpu.memory_space<vmem>>, vector<10000xf32>
    %add3A_181 = arith.addf %add3A_178, %get3A_180 : vector<10000xf32>
    %get3A_182 = arith.constant 790000 : index
    %get3A_183 = vector.load %arg0[%get3A_182] : memref<960000xf32, #tpu.memory_space<vmem>>, vector<10000xf32>
    %add3A_184 = arith.addf %add3A_181, %get3A_183 : vector<10000xf32>
    %get3A_185 = arith.constant 820000 : index
    %get3A_186 = vector.load %arg0[%get3A_185] : memref<960000xf32, #tpu.memory_space<vmem>>, vector<10000xf32>
    %add3A_187 = arith.addf %add3A_184, %get3A_186 : vector<10000xf32>
    %get3A_188 = arith.constant 850000 : index
    %get3A_189 = vector.load %arg0[%get3A_188] : memref<960000xf32, #tpu.memory_space<vmem>>, vector<10000xf32>
    %add3A_190 = arith.addf %add3A_187, %get3A_189 : vector<10000xf32>
    %get3A_191 = arith.constant 880000 : index
    %get3A_192 = vector.load %arg0[%get3A_191] : memref<960000xf32, #tpu.memory_space<vmem>>, vector<10000xf32>
    %add3A_193 = arith.addf %add3A_190, %get3A_192 : vector<10000xf32>
    %get3A_194 = arith.constant 910000 : index
    %get3A_195 = vector.load %arg0[%get3A_194] : memref<960000xf32, #tpu.memory_space<vmem>>, vector<10000xf32>
    %add3A_196 = arith.addf %add3A_193, %get3A_195 : vector<10000xf32>
    %get3A_197 = arith.constant 940000 : index
    %get3A_198 = vector.load %arg0[%get3A_197] : memref<960000xf32, #tpu.memory_space<vmem>>, vector<10000xf32>
    %add3A_199 = arith.addf %add3A_196, %get3A_198 : vector<10000xf32>
    %get3A_200 = arith.constant 10000 : index
    %get3A_201 = vector.load %arg1[%get3A_200] : memref<30000xf32, #tpu.memory_space<vmem>>, vector<10000xf32>
    %add3A_202 = arith.addf %add3A_199, %get3A_201 : vector<10000xf32>
    %mul3A_203 = arith.mulf %add3A_202, %get3A_0 : vector<10000xf32>
    %get3A_204 = arith.constant 1 : index
    %get3A_205 = vector.load %arg3[%get3A_204] : memref<3xf32, #tpu.memory_space<vmem>>, vector<1xf32>
    %get3A_206 = vector.extract %get3A_205[0] : f32 from vector<1xf32>
    %add3A_207 = vector.broadcast %get3A_206 : f32 to vector<10000xf32>
    %add3A_208 = arith.addf %mul3A_203, %add3A_207 : vector<10000xf32>
    %max3A_209 = arith.constant 0.000000e+00 : f32
    %max3A_210 = vector.broadcast %max3A_209 : f32 to vector<10000xf32>
    %max3A_211 = arith.maximumf %add3A_208, %max3A_210 : vector<10000xf32>
    %get3A_212 = arith.constant 20000 : index
    %get3A_213 = vector.load %arg0[%get3A_212] : memref<960000xf32, #tpu.memory_space<vmem>>, vector<10000xf32>
    %get3A_214 = arith.constant 50000 : index
    %get3A_215 = vector.load %arg0[%get3A_214] : memref<960000xf32, #tpu.memory_space<vmem>>, vector<10000xf32>
    %add3A_216 = arith.addf %get3A_213, %get3A_215 : vector<10000xf32>
    %get3A_217 = arith.constant 80000 : index
    %get3A_218 = vector.load %arg0[%get3A_217] : memref<960000xf32, #tpu.memory_space<vmem>>, vector<10000xf32>
    %add3A_219 = arith.addf %add3A_216, %get3A_218 : vector<10000xf32>
    %get3A_220 = arith.constant 110000 : index
    %get3A_221 = vector.load %arg0[%get3A_220] : memref<960000xf32, #tpu.memory_space<vmem>>, vector<10000xf32>
    %add3A_222 = arith.addf %add3A_219, %get3A_221 : vector<10000xf32>
    %get3A_223 = arith.constant 140000 : index
    %get3A_224 = vector.load %arg0[%get3A_223] : memref<960000xf32, #tpu.memory_space<vmem>>, vector<10000xf32>
    %add3A_225 = arith.addf %add3A_222, %get3A_224 : vector<10000xf32>
    %get3A_226 = arith.constant 170000 : index
    %get3A_227 = vector.load %arg0[%get3A_226] : memref<960000xf32, #tpu.memory_space<vmem>>, vector<10000xf32>
    %add3A_228 = arith.addf %add3A_225, %get3A_227 : vector<10000xf32>
    %get3A_229 = arith.constant 200000 : index
    %get3A_230 = vector.load %arg0[%get3A_229] : memref<960000xf32, #tpu.memory_space<vmem>>, vector<10000xf32>
    %add3A_231 = arith.addf %add3A_228, %get3A_230 : vector<10000xf32>
    %get3A_232 = arith.constant 230000 : index
    %get3A_233 = vector.load %arg0[%get3A_232] : memref<960000xf32, #tpu.memory_space<vmem>>, vector<10000xf32>
    %add3A_234 = arith.addf %add3A_231, %get3A_233 : vector<10000xf32>
    %get3A_235 = arith.constant 260000 : index
    %get3A_236 = vector.load %arg0[%get3A_235] : memref<960000xf32, #tpu.memory_space<vmem>>, vector<10000xf32>
    %add3A_237 = arith.addf %add3A_234, %get3A_236 : vector<10000xf32>
    %get3A_238 = arith.constant 290000 : index
    %get3A_239 = vector.load %arg0[%get3A_238] : memref<960000xf32, #tpu.memory_space<vmem>>, vector<10000xf32>
    %add3A_240 = arith.addf %add3A_237, %get3A_239 : vector<10000xf32>
    %get3A_241 = arith.constant 320000 : index
    %get3A_242 = vector.load %arg0[%get3A_241] : memref<960000xf32, #tpu.memory_space<vmem>>, vector<10000xf32>
    %add3A_243 = arith.addf %add3A_240, %get3A_242 : vector<10000xf32>
    %get3A_244 = arith.constant 350000 : index
    %get3A_245 = vector.load %arg0[%get3A_244] : memref<960000xf32, #tpu.memory_space<vmem>>, vector<10000xf32>
    %add3A_246 = arith.addf %add3A_243, %get3A_245 : vector<10000xf32>
    %get3A_247 = arith.constant 380000 : index
    %get3A_248 = vector.load %arg0[%get3A_247] : memref<960000xf32, #tpu.memory_space<vmem>>, vector<10000xf32>
    %add3A_249 = arith.addf %add3A_246, %get3A_248 : vector<10000xf32>
    %get3A_250 = arith.constant 410000 : index
    %get3A_251 = vector.load %arg0[%get3A_250] : memref<960000xf32, #tpu.memory_space<vmem>>, vector<10000xf32>
    %add3A_252 = arith.addf %add3A_249, %get3A_251 : vector<10000xf32>
    %get3A_253 = arith.constant 440000 : index
    %get3A_254 = vector.load %arg0[%get3A_253] : memref<960000xf32, #tpu.memory_space<vmem>>, vector<10000xf32>
    %add3A_255 = arith.addf %add3A_252, %get3A_254 : vector<10000xf32>
    %get3A_256 = arith.constant 470000 : index
    %get3A_257 = vector.load %arg0[%get3A_256] : memref<960000xf32, #tpu.memory_space<vmem>>, vector<10000xf32>
    %add3A_258 = arith.addf %add3A_255, %get3A_257 : vector<10000xf32>
    %get3A_259 = arith.constant 500000 : index
    %get3A_260 = vector.load %arg0[%get3A_259] : memref<960000xf32, #tpu.memory_space<vmem>>, vector<10000xf32>
    %add3A_261 = arith.addf %add3A_258, %get3A_260 : vector<10000xf32>
    %get3A_262 = arith.constant 530000 : index
    %get3A_263 = vector.load %arg0[%get3A_262] : memref<960000xf32, #tpu.memory_space<vmem>>, vector<10000xf32>
    %add3A_264 = arith.addf %add3A_261, %get3A_263 : vector<10000xf32>
    %get3A_265 = arith.constant 560000 : index
    %get3A_266 = vector.load %arg0[%get3A_265] : memref<960000xf32, #tpu.memory_space<vmem>>, vector<10000xf32>
    %add3A_267 = arith.addf %add3A_264, %get3A_266 : vector<10000xf32>
    %get3A_268 = arith.constant 590000 : index
    %get3A_269 = vector.load %arg0[%get3A_268] : memref<960000xf32, #tpu.memory_space<vmem>>, vector<10000xf32>
    %add3A_270 = arith.addf %add3A_267, %get3A_269 : vector<10000xf32>
    %get3A_271 = arith.constant 620000 : index
    %get3A_272 = vector.load %arg0[%get3A_271] : memref<960000xf32, #tpu.memory_space<vmem>>, vector<10000xf32>
    %add3A_273 = arith.addf %add3A_270, %get3A_272 : vector<10000xf32>
    %get3A_274 = arith.constant 650000 : index
    %get3A_275 = vector.load %arg0[%get3A_274] : memref<960000xf32, #tpu.memory_space<vmem>>, vector<10000xf32>
    %add3A_276 = arith.addf %add3A_273, %get3A_275 : vector<10000xf32>
    %get3A_277 = arith.constant 680000 : index
    %get3A_278 = vector.load %arg0[%get3A_277] : memref<960000xf32, #tpu.memory_space<vmem>>, vector<10000xf32>
    %add3A_279 = arith.addf %add3A_276, %get3A_278 : vector<10000xf32>
    %get3A_280 = arith.constant 710000 : index
    %get3A_281 = vector.load %arg0[%get3A_280] : memref<960000xf32, #tpu.memory_space<vmem>>, vector<10000xf32>
    %add3A_282 = arith.addf %add3A_279, %get3A_281 : vector<10000xf32>
    %get3A_283 = arith.constant 740000 : index
    %get3A_284 = vector.load %arg0[%get3A_283] : memref<960000xf32, #tpu.memory_space<vmem>>, vector<10000xf32>
    %add3A_285 = arith.addf %add3A_282, %get3A_284 : vector<10000xf32>
    %get3A_286 = arith.constant 770000 : index
    %get3A_287 = vector.load %arg0[%get3A_286] : memref<960000xf32, #tpu.memory_space<vmem>>, vector<10000xf32>
    %add3A_288 = arith.addf %add3A_285, %get3A_287 : vector<10000xf32>
    %get3A_289 = arith.constant 800000 : index
    %get3A_290 = vector.load %arg0[%get3A_289] : memref<960000xf32, #tpu.memory_space<vmem>>, vector<10000xf32>
    %add3A_291 = arith.addf %add3A_288, %get3A_290 : vector<10000xf32>
    %get3A_292 = arith.constant 830000 : index
    %get3A_293 = vector.load %arg0[%get3A_292] : memref<960000xf32, #tpu.memory_space<vmem>>, vector<10000xf32>
    %add3A_294 = arith.addf %add3A_291, %get3A_293 : vector<10000xf32>
    %get3A_295 = arith.constant 860000 : index
    %get3A_296 = vector.load %arg0[%get3A_295] : memref<960000xf32, #tpu.memory_space<vmem>>, vector<10000xf32>
    %add3A_297 = arith.addf %add3A_294, %get3A_296 : vector<10000xf32>
    %get3A_298 = arith.constant 890000 : index
    %get3A_299 = vector.load %arg0[%get3A_298] : memref<960000xf32, #tpu.memory_space<vmem>>, vector<10000xf32>
    %add3A_300 = arith.addf %add3A_297, %get3A_299 : vector<10000xf32>
    %get3A_301 = arith.constant 920000 : index
    %get3A_302 = vector.load %arg0[%get3A_301] : memref<960000xf32, #tpu.memory_space<vmem>>, vector<10000xf32>
    %add3A_303 = arith.addf %add3A_300, %get3A_302 : vector<10000xf32>
    %get3A_304 = arith.constant 950000 : index
    %get3A_305 = vector.load %arg0[%get3A_304] : memref<960000xf32, #tpu.memory_space<vmem>>, vector<10000xf32>
    %add3A_306 = arith.addf %add3A_303, %get3A_305 : vector<10000xf32>
    %get3A_307 = arith.constant 20000 : index
    %get3A_308 = vector.load %arg1[%get3A_307] : memref<30000xf32, #tpu.memory_space<vmem>>, vector<10000xf32>
    %add3A_309 = arith.addf %add3A_306, %get3A_308 : vector<10000xf32>
    %mul3A_310 = arith.mulf %add3A_309, %get3A_0 : vector<10000xf32>
    %get3A_311 = arith.constant 2 : index
    %get3A_312 = vector.load %arg3[%get3A_311] : memref<3xf32, #tpu.memory_space<vmem>>, vector<1xf32>
    %get3A_313 = vector.extract %get3A_312[0] : f32 from vector<1xf32>
    %add3A_314 = vector.broadcast %get3A_313 : f32 to vector<10000xf32>
    %add3A_315 = arith.addf %mul3A_310, %add3A_314 : vector<10000xf32>
    %max3A_316 = arith.constant 0.000000e+00 : f32
    %max3A_317 = vector.broadcast %max3A_316 : f32 to vector<10000xf32>
    %max3A_318 = arith.maximumf %add3A_315, %max3A_317 : vector<10000xf32>
    %stack3A = vector.shape_cast %max3A_104 : vector<10000xf32> to vector<1x10000xf32>
    %stack3A_319 = vector.shape_cast %max3A_211 : vector<10000xf32> to vector<1x10000xf32>
    %stack3A_320 = vector.shape_cast %max3A_318 : vector<10000xf32> to vector<1x10000xf32>
    %stack3A_321 = tpu.concatenate %stack3A, %stack3A_319, %stack3A_320 in 0 : vector<1x10000xf32>, vector<1x10000xf32>, vector<1x10000xf32> -> vector<3x10000xf32>
    %swap3A = arith.constant 0 : index
    %swap3A_322 = arith.constant 0 : index
    %swap3A_323 = vector.load %arg6[%swap3A, %swap3A_322] : memref<3x10000xf32, #tpu.memory_space<vmem>>, vector<3x10000xf32>
    tpu.vector_store %arg6[%swap3A, %swap3A_322], %stack3A_321 {strides = array<i32>} : memref<3x10000xf32, #tpu.memory_space<vmem>>, vector<3x10000xf32>,
    %get3A_324 = arith.constant 0 : index
    %get3A_325 = arith.constant 0 : index
    %get3A_326 = vector.load %arg4[%get3A_324, %get3A_325] : memref<10x3xf32, #tpu.memory_space<vmem>>, vector<10x3xf32>
    %dot_general3A = arith.constant dense<0.000000e+00> : vector<10x10000xf32>
    %dot_general3A_327 = tpu.matmul %get3A_326, %stack3A_321, %dot_general3A {dimension_numbers = #tpu.dot_dimension_numbers<[1], [0], [0], [1], [0, 0, 1, 1], [], []>, transpose_lhs_hint = false} : vector<10x3xf32>, vector<3x10000xf32>, vector<10x10000xf32> -> vector<10x10000xf32>
    %get3A_328 = arith.constant 0 : index
    %get3A_329 = arith.constant 0 : index
    %get3A_330 = vector.load %arg5[%get3A_328, %get3A_329] : memref<10x1xf32, #tpu.memory_space<vmem>>, vector<10x1xf32>
    %add3A_331 = vector.broadcast %get3A_330 : vector<10x1xf32> to vector<10x10000xf32>
    %add3A_332 = arith.addf %dot_general3A_327, %add3A_331 : vector<10x10000xf32>
    %swap3A_333 = arith.constant 0 : index
    %swap3A_334 = arith.constant 0 : index
    %swap3A_335 = vector.load %arg7[%swap3A_333, %swap3A_334] : memref<10x10000xf32, #tpu.memory_space<vmem>>, vector<10x10000xf32>
    tpu.vector_store %arg7[%swap3A_333, %swap3A_334], %add3A_332 {strides = array<i32>} : memref<10x10000xf32, #tpu.memory_space<vmem>>, vector<10x10000xf32>,
    return
  }
}

</mosaic_0001>

<sc_bundles>
// kernel: kernel.10.cloned.1.call-start
scs
__scs_entry_jumppad:
0x0: {  	(pc) =	sbr.rel $0x88, $3  }
0x1: {  	(tag) =	ssettag $0x0;
	lr =	simm.s32 $0x1  }
0x2: {  	[smem:$0x3F9B] =	sst lr;
	_ =	strace $0xD0000000  }
0x3: {  	_ = 	snop  }
0x4: {  	_ = 	snop  }
0x5: {  	_ = 	snop  }
0x6: {  	_ = 	snop  }
0x7: {  	_ = 	snop  }
__scs_overlays_trampoline_lowered:
0x8: {  	[smem:$0x3FAA] =	sst s0  }
0x9: {  	[smem:$0x3FAB] =	sst s1  }
0xa: {  	[smem:$0x3FAC] =	sst s2  }
0xb: {  	[smem:$0x3FAD] =	sst s3  }
0xc: {  	[smem:$0x3FAE] =	sst s4  }
0xd: {  	[smem:$0x3FAF] =	sst s5  }
0xe: {  	[smem:$0x3FB0] =	sst s6  }
0xf: {  	[smem:$0x3FB1] =	sst s7  }
0x10: {  	[smem:$0x3FB2] =	sst s8  }
0x11: {  	[smem:$0x3FB3] =	sst s9;
	s0 =	simm.s32 @!p0 $0x0  }
0x12: {  	s1 =	sld [smem:$0x3F99];
	s0 =	simm.s32 @p0 $0x1  }
0x13: {  	[smem:$0x3FB4] =	sst s0;
	s0 =	simm.s32 @!p1 $0x0  }
0x14: {  	s2 =	sld [smem:$0x3F98];
	s0 =	simm.s32 @p1 $0x1  }
0x15: {  	[smem:$0x3FB5] =	sst s0;
	s0 =	simm.s32 @!p2 $0x0  }
0x16: {  	s3 =	sld [smem:$0x3FDB];
	s0 =	simm.s32 @p2 $0x1  }
0x17: {  	s4 =	simm.s32 $0x1BF5;
	[smem:$0x3FB7] =	sst s0  }
0x18: {  	s0 =	sld [smem:$0x3F9A];
	_ =	swait.ge [sflag:s4], $0x0  }
0x19: {  	s7 =	sld [smem:$0x3F9B]  }
0x1a: {  	s8 =	sadd.s32 $0xFFFFE003, lr  }
0x1b: {  	s9 =	sadd.s32 $0xFFFFFEF7, lr;
	s5 =	simm.s32 $0xFFFFFFFF;
	p2 =	slt.u32 s8, $0xFFFFF086  }
0x1c: {  	p1 =	slt.u32 s9, $0xF7A;
	s5 =	simm.s32 @!p2 $0x0  }
0x1d: {  	s5 =	simm.s32 @p1 $0x1;
	p0 =	seq.s32 s7, s2  }
0x1e: {  	s7 =	smul.u32 @!p0 $0xF7A, s2;
	p2 =	seq.s32 @!p0 s5, $0x0  }
0x1f: {  	s9 =	smul.u32 $0xF7A, s1;
	s8 =	simm.s32 @!p0 $0x1BF5;
	p2 =	por !p2, p0  }
0x20: {  	[sflag:s8] =	ssyncset.s32 @!p0 $0xFFFFF086;
	s6 =	sadd.s32 @!p0 s3, s7;
	s7 =	simm.s32 @!p0 $0x108  }
0x21: {  	s3 =	sadd.s32 s3, s9;
	s6 =	sadd.s32 @!p0 $0x88, s6;
	s7 =	simm.s32 @p2 $0x1082  }
0x22: {  	[simem:s7], [sflag:s8] =	dma.local @!p0 [hbm:s6], $0xF7A  }
0x23: {  	s9 =	sor.u32 $0xD0000000, s2;
	s6 =	simm.s32 $0x108;
	_ =	swait.ge @!p0 [sflag:s8], $0x0  }
0x24: {  	s3 =	sadd.s32 $0x88, s3;
	s6 =	simm.s32 @!p1 $0x1082;
	[sflag:s4] =	ssyncset.s32 $0xFFFFF086  }
0x25: {  	[simem:s6], [sflag:s4] =	dma.local [hbm:s3], $0xF7A  }
0x26: {  	[smem:$0x3F9B] =	sst s1;
	(tag) =	ssettag s2;
	_ =	strace s9  }
0x27: {  	s1 =	sld [smem:$0x3FAB]  }
0x28: {  	s2 =	sld [smem:$0x3FAC]  }
0x29: {  	s4 =	sld [smem:$0x3FAE]  }
0x2a: {  	p0 =	seq.s32 s5, $0x0;
	s5 =	sld [smem:$0x3FAF]  }
0x2b: {  	s6 =	sld [smem:$0x3FB0]  }
0x2c: {  	s7 =	sld [smem:$0x3FB1]  }
0x2d: {  	s3 =	simm.s32 $0x108;
	s8 =	sld [smem:$0x3FB2]  }
0x2e: {  	s3 =	simm.s32 @!p0 $0x1082;
	s9 =	sld [smem:$0x3FB3]  }
0x2f: {  	lr =	sadd.s32 s0, s3;
	s0 =	sld [smem:$0x3FAA]  }
0x30: {  	s3 =	sld [smem:$0x3FAD]  }
0x31: {  	[smem:$0x3FB6] =	sst s10  }
0x32: {  	s10 =	sld [smem:$0x3FB4];
	_ =	sdelay $0x3  }
0x33: {  	p0 =	seq.s32 s10, $0x1;
	s10 =	sld [smem:$0x3FB6];
	_ =	sdelay $0x3  }
0x34: {  	[smem:$0x3FB6] =	sst s10  }
0x35: {  	s10 =	sld [smem:$0x3FB5];
	_ =	sdelay $0x3  }
0x36: {  	p1 =	seq.s32 s10, $0x1;
	s10 =	sld [smem:$0x3FB6];
	_ =	sdelay $0x3  }
0x37: {  	[smem:$0x3FB6] =	sst s10  }
0x38: {  	s10 =	sld [smem:$0x3FB7]  }
0x39: {  	_ = 	snop;
	(pc) =	sbr.ind lr, $3  }
0x3a: {  	_ = 	snop  }
0x3b: {  	_ = 	snop  }
0x3c: {  	p2 =	seq.s32 s10, $0x1;
	s10 =	sld [smem:$0x3FB6]  }
0x3d: {  	_ =	shalt  }
0x3e: {  	_ =	shalt  }
0x3f: {  	_ =	shalt  }
0x40: {  	_ =	shalt  }
0x41: {  	_ =	shalt  }
0x42: {  	_ =	shalt  }
0x43: {  	_ =	shalt  }
0x44: {  	_ =	shalt  }
0x45: {  	_ =	shalt  }
0x46: {  	_ =	shalt  }
0x47: {  	_ =	shalt  }
0x48: {  	_ =	shalt  }
0x49: {  	_ =	shalt  }
0x4a: {  	_ =	shalt  }
0x4b: {  	_ =	shalt  }
0x4c: {  	_ =	shalt  }
0x4d: {  	_ =	shalt  }
0x4e: {  	_ =	shalt  }
0x4f: {  	_ =	shalt  }
0x50: {  	_ =	shalt  }
0x51: {  	_ =	shalt  }
0x52: {  	_ =	shalt  }
0x53: {  	_ =	shalt  }
0x54: {  	_ =	shalt  }
0x55: {  	_ =	shalt  }
0x56: {  	_ =	shalt  }
0x57: {  	_ =	shalt  }
0x58: {  	_ =	shalt  }
0x59: {  	_ =	shalt  }
0x5a: {  	_ =	shalt  }
0x5b: {  	_ =	shalt  }
0x5c: {  	_ =	shalt  }
0x5d: {  	_ =	shalt  }
0x5e: {  	_ =	shalt  }
0x5f: {  	_ =	shalt  }
0x60: {  	_ =	shalt  }
0x61: {  	_ =	shalt  }
0x62: {  	_ =	shalt  }
0x63: {  	_ =	shalt  }
0x64: {  	_ =	shalt  }
0x65: {  	_ =	shalt  }
0x66: {  	_ =	shalt  }
0x67: {  	_ =	shalt  }
0x68: {  	_ =	shalt  }
0x69: {  	_ =	shalt  }
0x6a: {  	_ =	shalt  }
0x6b: {  	_ =	shalt  }
0x6c: {  	_ =	shalt  }
0x6d: {  	_ =	shalt  }
0x6e: {  	_ =	shalt  }
0x6f: {  	_ =	shalt  }
0x70: {  	_ =	shalt  }
0x71: {  	_ =	shalt  }
0x72: {  	_ =	shalt  }
0x73: {  	_ =	shalt  }
0x74: {  	_ =	shalt  }
0x75: {  	_ =	shalt  }
0x76: {  	_ =	shalt  }
0x77: {  	_ =	shalt  }
0x78: {  	_ =	shalt  }
0x79: {  	_ =	shalt  }
0x7a: {  	_ =	shalt  }
0x7b: {  	_ =	shalt  }
0x7c: {  	_ =	shalt  }
0x7d: {  	_ =	shalt  }
0x7e: {  	_ =	shalt  }
0x7f: {  	_ =	shalt  }
0x80: {  	_ =	shalt  }
0x81: {  	_ =	shalt  }
0x82: {  	_ =	shalt  }
0x83: {  	_ =	shalt  }
0x84: {  	_ =	shalt  }
0x85: {  	_ =	shalt  }
0x86: {  	_ =	shalt  }
0x87: {  	_ =	shalt  }
.Lfunc_end0:
.L_simem_size_0:
called_computation.1_lowered:
.L_overlay_start_0:
0x88: {  	s2 =	sld [smem:$0x3FD9]  }
0x89: {  	s3 =	sld [smem:$0x3FFE];
	_ =	sdelay $0x1  }
0x8a: {  	s1 =	srdreg.scid  }
0x8b: {  	s0 =	sand.u32 $0x1, s1  }
0x8c: {  	s14 =	sshll.u32 s0, $0xA;
	s2 =	sadd.s32 s3, s2  }
0x8d: {  	s2 =	sadd.s32 s2, s14  }
0x8e: {  	[smem:$0x3FC2] =	sst s2  }
0x8f: {  	_ = 	snop  }
0x90: {  	s2 =	sld [smem:$0x3FD0];
	_ =	sdelay $0x2  }
0x91: {  	s15 =	simm.s32 $0xA;
	s4 =	simm.s32 $0x10  }
0x92: {  	[smem:s4], [sflag:s15] =	dma.local [hbm:s2], $0x1  }
0x93: {  	_ =	swait.eq [sflag:s15], $0x1  }
0x94: {  	[sflag:s15] =	ssyncset.done $0x0  }
0x95: {  	[sflag:s15] =	ssyncadd.s32 $0xFFFFFFFF  }
0x96: {  	s16 =	sld [smem:$0x10];
	(tm) =	ssettm $0x1  }
0x97: {  	s17 =	sld [smem:$0x3FFB];
	_ =	sdelay $0x3  }
0x98: {  	_ =	strace s17  }
0x99: {  	s3 =	sld [smem:$0x3FFC];
	_ =	sdelay $0x3  }
0x9a: {  	_ =	strace s3  }
0x9b: {  	s3 =	sld [smem:$0x3FFD];
	_ =	sdelay $0x3  }
0x9c: {  	_ =	strace s3  }
0x9d: {  	_ =	strace $0x8FFFFFFF  }
0x9e: {  	s18 =	sld [smem:$0x3FDB];
	_ =	sdelay $0x1  }
0x9f: {  	s19 =	simm.s32 $_scs_section_size  }
0xa0: {  	s5 =	simm.s32 $_size__tile_overlayer_lowered;
	s6 =	simm.s32 $_tile_overlayer_lowered  }
0xa1: {  	s22 =	simm.s32 $0x1BFF;
	s21 =	sshll.u32 s6, $0x1;
	s3 =	sadd.s32 s19, s18  }
0xa2: {  	s7 =	simm.s32 $0x0;
	s20 =	sshll.u32 s5, $0x1;
	s5 =	sadd.s32 s21, s3  }
0xa3: {  	[timem:s7], [sflag:s22] =	dma.local [hbm:s5], s20  }
0xa4: {  	_ =	swait.ge [sflag:s22], s20  }
0xa5: {  	s4 =	ssub.s32 $0x0, s20;
	[sflag:s22] =	ssyncset.done $0x0  }
0xa6: {  	[sflag:s22] =	ssyncadd.s32 s4;
	_ =	sdelay $0x1  }
0xa7: {  	s23 =	simm.s32 $0x1B8B  }
0xa8: {  	_ =	swait.ge [sflag:s23], $0x1  }
0xa9: {  	[sflag:s23] =	ssyncset.done $0x0  }
0xaa: {  	s25 =	simm.s32 $0x1B8E;
	s24 =	sld [smem:$0x3FFE];
	[sflag:s23] =	ssyncadd.s32 $0xFFFFFFFF  }
0xab: {  	s26 =	simm.s32 $execute0_lowered;
	[smem:$0x3FD2] =	sst s25  }
0xac: {  	s5 =	sshll.u32 s26, $0x1;
	_ =	strace $0x80000049;
	[dreg:$0x1] =	wrdreg $0xFFFFFFFF  }
0xad: {  	s28 =	simm.s32 $_size_execute0_lowered;
	s3 =	sadd.s32 s3, s5;
	[dreg:$0x0] =	wrdreg $0x0  }
0xae: {  	s5 =	sshll.u32 s28, $0x1;
	[dreg:$0x2] =	wrdreg s3  }
0xaf: {  	[dreg:$0x3] =	wrdreg s5  }
0xb0: {  	[dreg:$0x4] =	wrdreg $0xC0  }
0xb1: {  	_ =	task [dreg:s7], $0x5FFFF  }
0xb2: {  	[dreg:$0x1] =	wrdreg $0xFFFFFFFF  }
0xb3: {  	[dreg:$0x0] =	wrdreg $0x60  }
0xb4: {  	[dreg:$0x2] =	wrdreg s24  }
0xb5: {  	[dreg:$0x3] =	wrdreg s16  }
0xb6: {  	[dreg:$0x4] =	wrdreg $0x9  }
0xb7: {  	_ =	task.clear_ibuf [dreg:s7], $0x5FFFF;
	_ =	strace $0x90000049  }
0xb8: {  	s29 =	simm.s32 $0x9;
	_ =	strace $0x8000004B  }
0xb9: {  	_ =	swait.ge [sflag:s29], $0x1  }
0xba: {  	[sflag:s29] =	ssyncadd.s32 $0xFFFFFFFF  }
0xbb: {  	_ =	strace $0x9000004B  }
0xbc: {  	_ =	sfence  }
0xbd: {  	s30 =	sld [smem:$0x0];
	_ =	sdelay $0x2  }
0xbe: {  	s31 =	sshll.u32 s1, $0xD;
	s1 =	sshrl.u32 s1, $0x2  }
0xbf: {  	s3 =	sand.u32 $0x4000, s31;
	s1 =	sadd.s32 s1, s30  }
0xc0: {  	s0 =	sor.u32 s3, s0;
	s1 =	sshll.u32 s1, $0x11  }
0xc1: {  	s0 =	sor.u32 s1, s0  }
0xc2: {  	s0 =	sadd.s32 $0x8F2B, s0  }
0xc3: {  	[sflag:s0] =	ssyncadd.remote.s32 $0x1  }
0xc4: {  	_ =	sfence.sel $0xFFFF  }
0xc5: {  	[dreg:$0x0] =	wrdreg $0xFFFFFFFF;
	(pc) =	sbr.abs _section_cstart, $3  }
0xc6: {  	[dreg:$0x1] =	wrdreg $0xFFFFFFFF  }
0xc7: {  	_ =	task.clear_ibuf [dreg:s7], $0x2FFFF;
	_ =	strace $0x9FFFFFFF  }
0xc8: {  	(tm) =	ssettm $0x7FFFFFFF  }
0xc9: {  	_ =	shalt  }
tec
execute0_lowered:
.L_overlay_start_1:
0x0: {  	(tag) =	ssettag $0x1  }
0x1: {  	s0 =	srdreg.scid;
	s5 =	rddreg [dreg:$0x0]  }
0x2: {  	s2 =	rddreg [dreg:$0x1];
	s4 =	sand.u32 $0x1, s0  }
0x3: {  	s3 =	simm.s32 $0x0;
	s0 =	stileid.u32;
	s1 =	sshll.u32 s4, $0x4  }
0x4: {  	s9 =	simm.s32 $0x2710;
	s10 =	simm.s32 $0x4E20;
	s6 =	sor.u32 s0, s1  }
0x5: {  	s11 =	simm.s32 $0xC350;
	s12 =	simm.s32 $0x0;
	s7 =	smul.u32 $0x2710, s6  }
0x6: {  	[smem:$0x7FF] =	sst s3;
	s4 =	ssub.s32 $0x2, s4;
	s6 =	smul.u32 $0xEA6, s6  }
0x7: {  	s1 =	rddreg [dreg:$0x2];
	_ =	strace $0x8000004A;
	s7 =	sshrl.u32 s7, $0x3  }
0x8: {  	s8 =	sshrl.u32 s4, $0x1;
	s6 =	sadd.s32 s6, s5;
	s7 =	sadd.s32 s7, s5  }
0x9: {  	s8 =	ssub.s32 s4, s8;
	s6 =	sadd.s32 $0x15E00, s6;
	s4 =	sadd.s32 $0x2400, s7  }
0xa: {  	v0 =	vimm.f32 $0.0e+00;
	s5 =	sadd.s32 $0xC040, s7;
	s7 =	smax.u32 s8, $0x1;
	s8 =	simm.s32 $0x1  }
.LBB2_1:
0xb: {  	[tilespmem:s3], [sflag:$0x1] =	stream.linear.gather [hbm4b:s4+s3], $0x2710, $0x38;
	[tilespmem:$0x13880] =	vst v63  }
0xc: {  	_ =	swait.ge [sflag:s8], $0x2710  }
0xd: {  	[sflag:s8] =	ssyncset.done $0x0  }
0xe: {  	[sflag:s8] =	ssyncadd.s32 $0xFFFFD8F0  }
0xf: {  	[tilespmem:s9], [sflag:$0x1] =	stream.linear.gather [hbm4b:s5+s3], $0x2710, $0x38;
	[tilespmem:$0x13880] =	vst v63  }
0x10: {  	_ =	swait.ge [sflag:s8], $0x2710  }
0x11: {  	[sflag:s8] =	ssyncset.done $0x0  }
0x12: {  	[sflag:s8] =	ssyncadd.s32 $0xFFFFD8F0  }
0x13: {  	[tilespmem:s10], [sflag:$0x1] =	stream.linear.gather [hbm4b:s2+s3], $0x7530, $0x38;
	[tilespmem:$0x13880] =	vst v63  }
0x14: {  	_ =	swait.ge [sflag:s8], $0x7530  }
0x15: {  	[sflag:s8] =	ssyncset.done $0x0  }
0x16: {  	s13 =	simm.s32 $0xC390;
	[sflag:s8] =	ssyncadd.s32 $0xFFFF8AD0  }
0x17: {  	[tilespmem:s13+$0xFFFFFFC0] =	vst v0  }
0x18: {  	[tilespmem:s13+$0x30] =	vst v0  }
0x19: {  	[tilespmem:s13+$0x20] =	vst v0  }
0x1a: {  	[tilespmem:s13+$0x10] =	vst v0  }
0x1b: {  	[tilespmem:s13+$0x0] =	vst v0  }
0x1c: {  	[tilespmem:s13+$0xFFFFFFF0] =	vst v0  }
0x1d: {  	s14 =	simm.s32 $0x0;
	[tilespmem:s13+$0xFFFFFFE0] =	vst v0  }
.LBB2_2:
0x1e: {  	s14 =	sadd.s32 $0x8, s14;
	[tilespmem:s13+$0xFFFFFFD0] =	vst v0;
	s13 =	sadd.s32 $0x80, s13  }
0x1f: {  	[tilespmem:s13+$0xFFFFFFC0] =	vst v0;
	p0 =	slt.u32 s14, $0x748  }
0x20: {  	[tilespmem:s13+$0x30] =	vst v0  }
.Ltmp0:
0x21: {  	[tilespmem:s13+$0x20] =	vst v0;
	(pc) =	sbr.rel @p0 .LBB2_2-.Ltmp0, $4  }
0x22: {  	[tilespmem:s13+$0x10] =	vst v0  }
0x23: {  	[tilespmem:s13+$0x0] =	vst v0  }
0x24: {  	[tilespmem:s13+$0xFFFFFFF0] =	vst v0  }
0x25: {  	[tilespmem:s13+$0xFFFFFFE0] =	vst v0  }
0x26: {  	[tilespmem:s13+$0xFFFFFFD0] =	vst v0  }
0x27: {  	[tilespmem:$0x13850] =	vst v0  }
0x28: {  	[tilespmem:$0x13860] =	vst v0  }
0x29: {  	s14 =	simm.s32 $0x40;
	[tilespmem:$0x13870] =	vst v0  }
0x2a: {  	v1 =	vld [tilespmem:s14+$0x30]  }
0x2b: {  	v2 =	vld [tilespmem:s14+$0xFFFFFFD0]  }
0x2c: {  	v3 =	vld [tilespmem:s14+$0xFFFFFFE0]  }
0x2d: {  	v4 =	vld [tilespmem:s14+$0xFFFFFFF0]  }
0x2e: {  	v5 =	vld [tilespmem:s14+$0x0]  }
0x2f: {  	s13 =	simm.s32 $0x2750;
	v6 =	vld [tilespmem:s14+$0x10]  }
0x30: {  	v7 =	vld [tilespmem:s13+$0x30]  }
0x31: {  	v8 =	vld [tilespmem:s14+$0x20]  }
0x32: {  	v10 =	vld [tilespmem:s14+$0xFFFFFFC0]  }
0x33: {  	v19 =	vld [tilespmem:s13+$0xFFFFFFC0]  }
0x34: {  	v20 =	vld [tilespmem:s13+$0xFFFFFFD0]  }
0x35: {  	v45 =	vld [tilespmem:s13+$0xFFFFFFE0]  }
0x36: {  	v46 =	vld [tilespmem:s13+$0xFFFFFFF0]  }
0x37: {  	v21 =	vld [tilespmem:s13+$0x0]  }
0x38: {  	v22 =	vld [tilespmem:s13+$0x10]  }
0x39: {  	v23 =	vld [tilespmem:s13+$0x20]  }
0x3a: {  	v9 =	vld.idx.msk [tilespmem:v1+s10+$0x0], $0xffff  }
0x3b: {  	v11 =	vld.idx.msk [tilespmem:v2+s10+$0x0], $0xffff  }
0x3c: {  	v13 =	vld.idx.msk [tilespmem:v3+s10+$0x0], $0xffff  }
0x3d: {  	v14 =	vld.idx.msk [tilespmem:v4+s10+$0x0], $0xffff  }
0x3e: {  	v17 =	vld.idx.msk [tilespmem:v10+s10+$0x0], $0xffff  }
0x3f: {  	v15 =	vld.idx.msk [tilespmem:v5+s10+$0x0], $0xffff  }
0x40: {  	v12 =	vadd.s32 $0x2710, v1;
	v44 =	vld.idx.msk [tilespmem:v6+s10+$0x0], $0xffff  }
0x41: {  	v18 =	vld.idx.msk [tilespmem:v8+s10+$0x0], $0xffff  }
0x42: {  	[tilespmem:v7+s11+$0x0] =	vst.idx.add.f32.msk $0xffff, v9  }
0x43: {  	[tilespmem:v19+s11+$0x0] =	vst.idx.add.f32.msk $0xffff, v17  }
0x44: {  	[tilespmem:v20+s11+$0x0] =	vst.idx.add.f32.msk $0xffff, v11  }
0x45: {  	v16 =	vadd.s32 $0x2710, v7;
	v9 =	vld.idx.msk [tilespmem:v12+s10+$0x0], $0xffff  }
0x46: {  	v1 =	vadd.s32 $0x4E20, v1;
	[tilespmem:v45+s11+$0x0] =	vst.idx.add.f32.msk $0xffff, v13  }
0x47: {  	[tilespmem:v46+s11+$0x0] =	vst.idx.add.f32.msk $0xffff, v14  }
0x48: {  	v48 =	vadd.s32 $0x2710, v3;
	[tilespmem:v21+s11+$0x0] =	vst.idx.add.f32.msk $0xffff, v15  }
0x49: {  	v49 =	vadd.s32 $0x2710, v4;
	[tilespmem:v22+s11+$0x0] =	vst.idx.add.f32.msk $0xffff, v44  }
0x4a: {  	v50 =	vadd.s32 $0x2710, v5;
	[tilespmem:v16+s11+$0x0] =	vst.idx.add.f32.msk $0xffff, v9  }
0x4b: {  	v7 =	vadd.s32 $0x4E20, v7;
	v1 =	vld.idx.msk [tilespmem:v1+s10+$0x0], $0xffff  }
0x4c: {  	v51 =	vadd.s32 $0x2710, v6;
	[tilespmem:v23+s11+$0x0] =	vst.idx.add.f32.msk $0xffff, v18  }
0x4d: {  	v52 =	vadd.s32 $0x2710, v8;
	v11 =	vld.idx.msk [tilespmem:v48+s10+$0x0], $0xffff  }
0x4e: {  	v24 =	vadd.s32 $0x2710, v45;
	v13 =	vld.idx.msk [tilespmem:v49+s10+$0x0], $0xffff  }
0x4f: {  	v25 =	vadd.s32 $0x2710, v46;
	v12 =	vld.idx.msk [tilespmem:v50+s10+$0x0], $0xffff  }
0x50: {  	[tilespmem:v7+s11+$0x0] =	vst.idx.add.f32.msk $0xffff, v1;
	v1 =	vadd.s32 $0x2710, v10  }
0x51: {  	v26 =	vadd.s32 $0x2710, v21;
	v14 =	vld.idx.msk [tilespmem:v51+s10+$0x0], $0xffff  }
0x52: {  	v27 =	vadd.s32 $0x2710, v22;
	v15 =	vld.idx.msk [tilespmem:v52+s10+$0x0], $0xffff  }
0x53: {  	v3 =	vadd.s32 $0x4E20, v3;
	[tilespmem:v24+s11+$0x0] =	vst.idx.add.f32.msk $0xffff, v11  }
0x54: {  	v4 =	vadd.s32 $0x4E20, v4;
	[tilespmem:v25+s11+$0x0] =	vst.idx.add.f32.msk $0xffff, v13  }
0x55: {  	v53 =	vadd.s32 $0x2710, v19;
	v1 =	vld.idx.msk [tilespmem:v1+s10+$0x0], $0xffff  }
0x56: {  	v47 =	vadd.s32 $0x2710, v2;
	[tilespmem:v26+s11+$0x0] =	vst.idx.add.f32.msk $0xffff, v12  }
0x57: {  	v5 =	vadd.s32 $0x4E20, v5;
	[tilespmem:v27+s11+$0x0] =	vst.idx.add.f32.msk $0xffff, v14  }
0x58: {  	v9 =	vadd.s32 $0x4E20, v45;
	v3 =	vld.idx.msk [tilespmem:v3+s10+$0x0], $0xffff  }
0x59: {  	v60 =	vadd.s32 $0x4E20, v46;
	v4 =	vld.idx.msk [tilespmem:v4+s10+$0x0], $0xffff  }
0x5a: {  	[tilespmem:v53+s11+$0x0] =	vst.idx.add.f32.msk $0xffff, v1;
	v1 =	vadd.s32 $0x2710, v23  }
0x5b: {  	v54 =	vadd.s32 $0x2710, v20;
	v7 =	vld.idx.msk [tilespmem:v47+s10+$0x0], $0xffff  }
0x5c: {  	v2 =	vadd.s32 $0x4E20, v2;
	v5 =	vld.idx.msk [tilespmem:v5+s10+$0x0], $0xffff  }
0x5d: {  	v55 =	vadd.s32 $0x4E20, v10;
	[tilespmem:v9+s11+$0x0] =	vst.idx.add.f32.msk $0xffff, v3  }
0x5e: {  	v57 =	vadd.s32 $0x4E20, v8;
	[tilespmem:v60+s11+$0x0] =	vst.idx.add.f32.msk $0xffff, v4  }
0x5f: {  	[tilespmem:v1+s11+$0x0] =	vst.idx.add.f32.msk $0xffff, v15;
	v1 =	vadd.s32 $0x4E20, v6  }
0x60: {  	v61 =	vadd.s32 $0x4E20, v21;
	[tilespmem:v54+s11+$0x0] =	vst.idx.add.f32.msk $0xffff, v7  }
0x61: {  	v59 =	vadd.s32 $0x4E20, v20;
	v2 =	vld.idx.msk [tilespmem:v2+s10+$0x0], $0xffff  }
0x62: {  	v58 =	vadd.s32 $0x4E20, v19;
	v56 =	vld.idx.msk [tilespmem:v55+s10+$0x0], $0xffff  }
0x63: {  	v63 =	vadd.s32 $0x4E20, v23;
	v7 =	vld.idx.msk [tilespmem:v57+s10+$0x0], $0xffff  }
0x64: {  	v62 =	vadd.s32 $0x4E20, v22;
	v1 =	vld.idx.msk [tilespmem:v1+s10+$0x0], $0xffff  }
0x65: {  	[tilespmem:v61+s11+$0x0] =	vst.idx.add.f32.msk $0xffff, v5  }
0x66: {  	[tilespmem:v59+s11+$0x0] =	vst.idx.add.f32.msk $0xffff, v2  }
0x67: {  	[tilespmem:v58+s11+$0x0] =	vst.idx.add.f32.msk $0xffff, v56  }
0x68: {  	[tilespmem:v63+s11+$0x0] =	vst.idx.add.f32.msk $0xffff, v7  }
0x69: {  	s15 =	simm.s32 $0xC0;
	s14 =	simm.s32 $0x0;
	[tilespmem:v62+s11+$0x0] =	vst.idx.add.f32.msk $0xffff, v1  }
.LBB2_4:
0x6a: {  	v1 =	vld [tilespmem:s15+$0x30];
	s14 =	sadd.s32 $0x8, s14  }
0x6b: {  	v2 =	vld [tilespmem:s15+$0xFFFFFFD0];
	p0 =	slt.u32 s14, $0x268  }
0x6c: {  	v3 =	vld [tilespmem:s15+$0xFFFFFFE0]  }
0x6d: {  	v4 =	vld [tilespmem:s15+$0xFFFFFFF0]  }
0x6e: {  	v5 =	vld [tilespmem:s15+$0x0]  }
0x6f: {  	s13 =	sadd.s32 $0x80, s13;
	v6 =	vld [tilespmem:s15+$0x10]  }
0x70: {  	v7 =	vadd.s32 $0x2710, v2;
	v8 =	vadd.s32 $0x4E20, v2;
	v9 =	vld [tilespmem:s13+$0x30]  }
0x71: {  	v10 =	vadd.s32 $0x2710, v3;
	v11 =	vadd.s32 $0x4E20, v3;
	v12 =	vld [tilespmem:s15+$0x20]  }
0x72: {  	v13 =	vadd.s32 $0x2710, v4;
	v14 =	vadd.s32 $0x4E20, v4;
	v15 =	vld.idx.msk [tilespmem:v1+s10+$0x0], $0xffff  }
0x73: {  	v16 =	vld [tilespmem:s15+$0xFFFFFFC0];
	v17 =	vadd.s32 $0x2710, v5;
	v18 =	vadd.s32 $0x4E20, v5  }
0x74: {  	v21 =	vadd.s32 $0x2710, v1;
	v2 =	vld.idx.msk [tilespmem:v2+s10+$0x0], $0xffff;
	v19 =	vadd.s32 $0x2710, v6;
	v20 =	vadd.s32 $0x4E20, v6  }
0x75: {  	v3 =	vld.idx.msk [tilespmem:v3+s10+$0x0], $0xffff  }
0x76: {  	v4 =	vld.idx.msk [tilespmem:v4+s10+$0x0], $0xffff;
	v22 =	vadd.s32 $0x2710, v12;
	v23 =	vadd.s32 $0x4E20, v12  }
0x77: {  	v5 =	vld.idx.msk [tilespmem:v5+s10+$0x0], $0xffff  }
0x78: {  	v24 =	vadd.s32 $0x2710, v16;
	v25 =	vadd.s32 $0x4E20, v16;
	[tilespmem:v9+s11+$0x0] =	vst.idx.add.f32.msk $0xffff, v15  }
0x79: {  	v15 =	vld.idx.msk [tilespmem:v21+s10+$0x0], $0xffff  }
0x7a: {  	v21 =	vadd.s32 $0x2710, v9;
	v6 =	vld.idx.msk [tilespmem:v6+s10+$0x0], $0xffff  }
0x7b: {  	v1 =	vadd.s32 $0x4E20, v1;
	v16 =	vld.idx.msk [tilespmem:v16+s10+$0x0], $0xffff  }
0x7c: {  	v12 =	vld.idx.msk [tilespmem:v12+s10+$0x0], $0xffff  }
0x7d: {  	v26 =	vld [tilespmem:s13+$0xFFFFFFC0]  }
0x7e: {  	v27 =	vld [tilespmem:s13+$0xFFFFFFD0]  }
0x7f: {  	[tilespmem:v21+s11+$0x0] =	vst.idx.add.f32.msk $0xffff, v15  }
0x80: {  	v1 =	vld.idx.msk [tilespmem:v1+s10+$0x0], $0xffff  }
0x81: {  	v9 =	vadd.s32 $0x4E20, v9;
	v15 =	vld [tilespmem:s13+$0xFFFFFFE0]  }
0x82: {  	v21 =	vadd.s32 $0x2710, v26;
	v28 =	vadd.s32 $0x4E20, v26;
	v29 =	vld [tilespmem:s13+$0xFFFFFFF0]  }
0x83: {  	v30 =	vadd.s32 $0x2710, v27;
	v31 =	vadd.s32 $0x4E20, v27;
	v32 =	vld [tilespmem:s13+$0x0]  }
0x84: {  	v33 =	vld [tilespmem:s13+$0x10]  }
0x85: {  	v34 =	vld [tilespmem:s13+$0x20]  }
0x86: {  	v35 =	vadd.s32 $0x2710, v15;
	v36 =	vadd.s32 $0x4E20, v15;
	[tilespmem:v9+s11+$0x0] =	vst.idx.add.f32.msk $0xffff, v1  }
0x87: {  	[tilespmem:v26+s11+$0x0] =	vst.idx.add.f32.msk $0xffff, v16;
	v1 =	vadd.s32 $0x2710, v29;
	v9 =	vadd.s32 $0x4E20, v29  }
0x88: {  	[tilespmem:v27+s11+$0x0] =	vst.idx.add.f32.msk $0xffff, v2;
	v2 =	vadd.s32 $0x2710, v32;
	v16 =	vadd.s32 $0x4E20, v32  }
0x89: {  	[tilespmem:v15+s11+$0x0] =	vst.idx.add.f32.msk $0xffff, v3;
	v3 =	vadd.s32 $0x2710, v33;
	v15 =	vadd.s32 $0x4E20, v33  }
0x8a: {  	[tilespmem:v29+s11+$0x0] =	vst.idx.add.f32.msk $0xffff, v4;
	v4 =	vadd.s32 $0x2710, v34;
	v26 =	vadd.s32 $0x4E20, v34  }
0x8b: {  	[tilespmem:v32+s11+$0x0] =	vst.idx.add.f32.msk $0xffff, v5  }
0x8c: {  	[tilespmem:v33+s11+$0x0] =	vst.idx.add.f32.msk $0xffff, v6  }
0x8d: {  	[tilespmem:v34+s11+$0x0] =	vst.idx.add.f32.msk $0xffff, v12  }
0x8e: {  	v5 =	vld.idx.msk [tilespmem:v24+s10+$0x0], $0xffff  }
0x8f: {  	v6 =	vld.idx.msk [tilespmem:v7+s10+$0x0], $0xffff  }
0x90: {  	v7 =	vld.idx.msk [tilespmem:v10+s10+$0x0], $0xffff  }
0x91: {  	v10 =	vld.idx.msk [tilespmem:v13+s10+$0x0], $0xffff  }
0x92: {  	v12 =	vld.idx.msk [tilespmem:v17+s10+$0x0], $0xffff  }
0x93: {  	v13 =	vld.idx.msk [tilespmem:v19+s10+$0x0], $0xffff  }
0x94: {  	v17 =	vld.idx.msk [tilespmem:v22+s10+$0x0], $0xffff  }
0x95: {  	[tilespmem:v21+s11+$0x0] =	vst.idx.add.f32.msk $0xffff, v5  }
0x96: {  	[tilespmem:v30+s11+$0x0] =	vst.idx.add.f32.msk $0xffff, v6  }
0x97: {  	[tilespmem:v35+s11+$0x0] =	vst.idx.add.f32.msk $0xffff, v7  }
0x98: {  	[tilespmem:v1+s11+$0x0] =	vst.idx.add.f32.msk $0xffff, v10  }
0x99: {  	[tilespmem:v2+s11+$0x0] =	vst.idx.add.f32.msk $0xffff, v12  }
0x9a: {  	[tilespmem:v3+s11+$0x0] =	vst.idx.add.f32.msk $0xffff, v13  }
0x9b: {  	[tilespmem:v4+s11+$0x0] =	vst.idx.add.f32.msk $0xffff, v17  }
0x9c: {  	v1 =	vld.idx.msk [tilespmem:v25+s10+$0x0], $0xffff  }
0x9d: {  	v2 =	vld.idx.msk [tilespmem:v8+s10+$0x0], $0xffff  }
0x9e: {  	v3 =	vld.idx.msk [tilespmem:v11+s10+$0x0], $0xffff  }
0x9f: {  	v4 =	vld.idx.msk [tilespmem:v14+s10+$0x0], $0xffff  }
0xa0: {  	v5 =	vld.idx.msk [tilespmem:v18+s10+$0x0], $0xffff  }
0xa1: {  	v6 =	vld.idx.msk [tilespmem:v20+s10+$0x0], $0xffff  }
0xa2: {  	v7 =	vld.idx.msk [tilespmem:v23+s10+$0x0], $0xffff  }
0xa3: {  	[tilespmem:v28+s11+$0x0] =	vst.idx.add.f32.msk $0xffff, v1  }
0xa4: {  	[tilespmem:v31+s11+$0x0] =	vst.idx.add.f32.msk $0xffff, v2  }
.Ltmp1:
0xa5: {  	[tilespmem:v36+s11+$0x0] =	vst.idx.add.f32.msk $0xffff, v3;
	(pc) =	sbr.rel @p0 .LBB2_4-.Ltmp1, $4  }
0xa6: {  	[tilespmem:v9+s11+$0x0] =	vst.idx.add.f32.msk $0xffff, v4  }
0xa7: {  	[tilespmem:v16+s11+$0x0] =	vst.idx.add.f32.msk $0xffff, v5  }
0xa8: {  	[tilespmem:v15+s11+$0x0] =	vst.idx.add.f32.msk $0xffff, v6  }
0xa9: {  	s15 =	sadd.s32 $0x80, s15;
	[tilespmem:v26+s11+$0x0] =	vst.idx.add.f32.msk $0xffff, v7  }
0xaa: {  	v1 =	vld [tilespmem:$0x2700];
	_ =	sdelay $0x4  }
0xab: {  	v2 =	vld [tilespmem:$0x4E10];
	_ =	sdelay $0x2  }
0xac: {  	v3 =	vld.idx.msk [tilespmem:v1+s10+$0x0], $0xffff  }
0xad: {  	v4 =	vadd.s32 $0x2710, v1;
	_ =	sdelay $0x3  }
0xae: {  	[tilespmem:v2+s11+$0x0] =	vst.idx.add.f32.msk $0xffff, v3  }
0xaf: {  	v63 =	vadd.s32 $0x2710, v2;
	v3 =	vld.idx.msk [tilespmem:v4+s10+$0x0], $0xffff  }
0xb0: {  	v1 =	vadd.s32 $0x4E20, v1;
	_ =	sdelay $0x3  }
0xb1: {  	[tilespmem:v63+s11+$0x0] =	vst.idx.add.f32.msk $0xffff, v3  }
0xb2: {  	v2 =	vadd.s32 $0x4E20, v2;
	v1 =	vld.idx.msk [tilespmem:v1+s10+$0x0], $0xffff;
	_ =	sdelay $0x2  }
0xb3: {  	s12 =	sadd.s32 $0x1, s12  }
0xb4: {  	p0 =	sne.s32 s12, s7  }
.Ltmp2:
0xb5: {  	[tilespmem:v2+s11+$0x0] =	vst.idx.add.f32.msk $0xffff, v1;
	(pc) =	sbr.rel @p0 .LBB2_1-.Ltmp2, $4  }
0xb6: {  	[hbm4b:s6+s3] =	stream.linear.scatter [tilespmem:s11], [sflag:$0x1], $0x7530, $0x38;
	[tilespmem:$0x13880] =	vst v63  }
0xb7: {  	_ =	swait.ge [sflag:s8], $0x7530  }
0xb8: {  	[sflag:s8] =	ssyncset.done $0x0  }
0xb9: {  	[sflag:s8] =	ssyncadd.s32 $0xFFFF8AD0  }
0xba: {  	_ =	sfence.sel $0x180000  }
0xbb: {  	[bflag:$0x0] =	sbarrier.arrive $0xFFFF  }
0xbc: {  	p0 =	sne.s32 s0, $0x0;
	_ =	strace $0x9000004A  }
0xbd: {  	s0 =	sadd.s32 @!p0 $0x100000, s1;
	[bflag:$0x2] =	sbarrier.arrive $0xFFFF  }
0xbe: {  	[sflag:s0] =	ssyncadd.tile.s32 @!p0 $0x1;
	_ =	shalt  }
.Lfunc_end2:
_tile_overlayer_lowered:
.L_overlay_start_2:
0xbf: {  	(tag) =	ssettag $0x2  }
0xc0: {  	s0 =	rddreg [dreg:$0x0];
	s2 =	stileid.u32  }
0xc1: {  	s1 =	rddreg [dreg:$0x1];
	p0 =	sne.s32 s2, $0x0  }
0xc2: {  	s3 =	rddreg [dreg:$0x2];
	[bflag:$0x3] =	sbarrier.arrive $0xFFFF;
	s2 =	simm.s32 @!p0 $0x1C01  }
0xc3: {  	[timem:s3], [sflag:s2] =	dma.local @!p0 [hbm:s0], s1  }
0xc4: {  	s0 =	simm.s32 @!p0 $0x1  }
0xc5: {  	_ =	swait.ge @!p0 [sflag:s0], s1  }
0xc6: {  	s1 =	ssub.s32 @!p0 $0x0, s1;
	[sflag:s0] =	ssyncset.done @!p0 $0x0  }
0xc7: {  	[sflag:s0] =	ssyncadd.s32 @!p0 s1  }
0xc8: {  	[bflag:$0x3] =	sbarrier.arrive $0xFFFF  }
0xc9: {  	_ =	shalt  }

// kernel: kernel.7.cloned.1.call-start
scs
__scs_entry_jumppad:
0x0: {  	(pc) =	sbr.rel $0x88, $3  }
0x1: {  	(tag) =	ssettag $0x0;
	lr =	simm.s32 $0x1  }
0x2: {  	[smem:$0x3F9B] =	sst lr;
	_ =	strace $0xD0000000  }
0x3: {  	_ = 	snop  }
0x4: {  	_ = 	snop  }
0x5: {  	_ = 	snop  }
0x6: {  	_ = 	snop  }
0x7: {  	_ = 	snop  }
__scs_overlays_trampoline_lowered:
0x8: {  	[smem:$0x3FAA] =	sst s0  }
0x9: {  	[smem:$0x3FAB] =	sst s1  }
0xa: {  	[smem:$0x3FAC] =	sst s2  }
0xb: {  	[smem:$0x3FAD] =	sst s3  }
0xc: {  	[smem:$0x3FAE] =	sst s4  }
0xd: {  	[smem:$0x3FAF] =	sst s5  }
0xe: {  	[smem:$0x3FB0] =	sst s6  }
0xf: {  	[smem:$0x3FB1] =	sst s7  }
0x10: {  	[smem:$0x3FB2] =	sst s8  }
0x11: {  	[smem:$0x3FB3] =	sst s9;
	s0 =	simm.s32 @!p0 $0x0  }
0x12: {  	s1 =	sld [smem:$0x3F99];
	s0 =	simm.s32 @p0 $0x1  }
0x13: {  	[smem:$0x3FB4] =	sst s0;
	s0 =	simm.s32 @!p1 $0x0  }
0x14: {  	s2 =	sld [smem:$0x3F98];
	s0 =	simm.s32 @p1 $0x1  }
0x15: {  	[smem:$0x3FB5] =	sst s0;
	s0 =	simm.s32 @!p2 $0x0  }
0x16: {  	s3 =	sld [smem:$0x3FDB];
	s0 =	simm.s32 @p2 $0x1  }
0x17: {  	s4 =	simm.s32 $0x1BF5;
	[smem:$0x3FB7] =	sst s0  }
0x18: {  	s0 =	sld [smem:$0x3F9A];
	_ =	swait.ge [sflag:s4], $0x0  }
0x19: {  	s7 =	sld [smem:$0x3F9B]  }
0x1a: {  	s8 =	sadd.s32 $0xFFFFE003, lr  }
0x1b: {  	s9 =	sadd.s32 $0xFFFFFEF7, lr;
	s5 =	simm.s32 $0xFFFFFFFF;
	p2 =	slt.u32 s8, $0xFFFFF086  }
0x1c: {  	p1 =	slt.u32 s9, $0xF7A;
	s5 =	simm.s32 @!p2 $0x0  }
0x1d: {  	s5 =	simm.s32 @p1 $0x1;
	p0 =	seq.s32 s7, s2  }
0x1e: {  	s7 =	smul.u32 @!p0 $0xF7A, s2;
	p2 =	seq.s32 @!p0 s5, $0x0  }
0x1f: {  	s9 =	smul.u32 $0xF7A, s1;
	s8 =	simm.s32 @!p0 $0x1BF5;
	p2 =	por !p2, p0  }
0x20: {  	[sflag:s8] =	ssyncset.s32 @!p0 $0xFFFFF086;
	s6 =	sadd.s32 @!p0 s3, s7;
	s7 =	simm.s32 @!p0 $0x108  }
0x21: {  	s3 =	sadd.s32 s3, s9;
	s6 =	sadd.s32 @!p0 $0x88, s6;
	s7 =	simm.s32 @p2 $0x1082  }
0x22: {  	[simem:s7], [sflag:s8] =	dma.local @!p0 [hbm:s6], $0xF7A  }
0x23: {  	s9 =	sor.u32 $0xD0000000, s2;
	s6 =	simm.s32 $0x108;
	_ =	swait.ge @!p0 [sflag:s8], $0x0  }
0x24: {  	s3 =	sadd.s32 $0x88, s3;
	s6 =	simm.s32 @!p1 $0x1082;
	[sflag:s4] =	ssyncset.s32 $0xFFFFF086  }
0x25: {  	[simem:s6], [sflag:s4] =	dma.local [hbm:s3], $0xF7A  }
0x26: {  	[smem:$0x3F9B] =	sst s1;
	(tag) =	ssettag s2;
	_ =	strace s9  }
0x27: {  	s1 =	sld [smem:$0x3FAB]  }
0x28: {  	s2 =	sld [smem:$0x3FAC]  }
0x29: {  	s4 =	sld [smem:$0x3FAE]  }
0x2a: {  	p0 =	seq.s32 s5, $0x0;
	s5 =	sld [smem:$0x3FAF]  }
0x2b: {  	s6 =	sld [smem:$0x3FB0]  }
0x2c: {  	s7 =	sld [smem:$0x3FB1]  }
0x2d: {  	s3 =	simm.s32 $0x108;
	s8 =	sld [smem:$0x3FB2]  }
0x2e: {  	s3 =	simm.s32 @!p0 $0x1082;
	s9 =	sld [smem:$0x3FB3]  }
0x2f: {  	lr =	sadd.s32 s0, s3;
	s0 =	sld [smem:$0x3FAA]  }
0x30: {  	s3 =	sld [smem:$0x3FAD]  }
0x31: {  	[smem:$0x3FB6] =	sst s10  }
0x32: {  	s10 =	sld [smem:$0x3FB4];
	_ =	sdelay $0x3  }
0x33: {  	p0 =	seq.s32 s10, $0x1;
	s10 =	sld [smem:$0x3FB6];
	_ =	sdelay $0x3  }
0x34: {  	[smem:$0x3FB6] =	sst s10  }
0x35: {  	s10 =	sld [smem:$0x3FB5];
	_ =	sdelay $0x3  }
0x36: {  	p1 =	seq.s32 s10, $0x1;
	s10 =	sld [smem:$0x3FB6];
	_ =	sdelay $0x3  }
0x37: {  	[smem:$0x3FB6] =	sst s10  }
0x38: {  	s10 =	sld [smem:$0x3FB7]  }
0x39: {  	_ = 	snop;
	(pc) =	sbr.ind lr, $3  }
0x3a: {  	_ = 	snop  }
0x3b: {  	_ = 	snop  }
0x3c: {  	p2 =	seq.s32 s10, $0x1;
	s10 =	sld [smem:$0x3FB6]  }
0x3d: {  	_ =	shalt  }
0x3e: {  	_ =	shalt  }
0x3f: {  	_ =	shalt  }
0x40: {  	_ =	shalt  }
0x41: {  	_ =	shalt  }
0x42: {  	_ =	shalt  }
0x43: {  	_ =	shalt  }
0x44: {  	_ =	shalt  }
0x45: {  	_ =	shalt  }
0x46: {  	_ =	shalt  }
0x47: {  	_ =	shalt  }
0x48: {  	_ =	shalt  }
0x49: {  	_ =	shalt  }
0x4a: {  	_ =	shalt  }
0x4b: {  	_ =	shalt  }
0x4c: {  	_ =	shalt  }
0x4d: {  	_ =	shalt  }
0x4e: {  	_ =	shalt  }
0x4f: {  	_ =	shalt  }
0x50: {  	_ =	shalt  }
0x51: {  	_ =	shalt  }
0x52: {  	_ =	shalt  }
0x53: {  	_ =	shalt  }
0x54: {  	_ =	shalt  }
0x55: {  	_ =	shalt  }
0x56: {  	_ =	shalt  }
0x57: {  	_ =	shalt  }
0x58: {  	_ =	shalt  }
0x59: {  	_ =	shalt  }
0x5a: {  	_ =	shalt  }
0x5b: {  	_ =	shalt  }
0x5c: {  	_ =	shalt  }
0x5d: {  	_ =	shalt  }
0x5e: {  	_ =	shalt  }
0x5f: {  	_ =	shalt  }
0x60: {  	_ =	shalt  }
0x61: {  	_ =	shalt  }
0x62: {  	_ =	shalt  }
0x63: {  	_ =	shalt  }
0x64: {  	_ =	shalt  }
0x65: {  	_ =	shalt  }
0x66: {  	_ =	shalt  }
0x67: {  	_ =	shalt  }
0x68: {  	_ =	shalt  }
0x69: {  	_ =	shalt  }
0x6a: {  	_ =	shalt  }
0x6b: {  	_ =	shalt  }
0x6c: {  	_ =	shalt  }
0x6d: {  	_ =	shalt  }
0x6e: {  	_ =	shalt  }
0x6f: {  	_ =	shalt  }
0x70: {  	_ =	shalt  }
0x71: {  	_ =	shalt  }
0x72: {  	_ =	shalt  }
0x73: {  	_ =	shalt  }
0x74: {  	_ =	shalt  }
0x75: {  	_ =	shalt  }
0x76: {  	_ =	shalt  }
0x77: {  	_ =	shalt  }
0x78: {  	_ =	shalt  }
0x79: {  	_ =	shalt  }
0x7a: {  	_ =	shalt  }
0x7b: {  	_ =	shalt  }
0x7c: {  	_ =	shalt  }
0x7d: {  	_ =	shalt  }
0x7e: {  	_ =	shalt  }
0x7f: {  	_ =	shalt  }
0x80: {  	_ =	shalt  }
0x81: {  	_ =	shalt  }
0x82: {  	_ =	shalt  }
0x83: {  	_ =	shalt  }
0x84: {  	_ =	shalt  }
0x85: {  	_ =	shalt  }
0x86: {  	_ =	shalt  }
0x87: {  	_ =	shalt  }
.Lfunc_end0:
.L_simem_size_0:
called_computation_lowered:
.L_overlay_start_0:
0x88: {  	s2 =	sld [smem:$0x3FD9]  }
0x89: {  	s3 =	sld [smem:$0x3FFE];
	_ =	sdelay $0x1  }
0x8a: {  	s1 =	srdreg.scid  }
0x8b: {  	s0 =	sand.u32 $0x1, s1  }
0x8c: {  	s16 =	sshll.u32 s0, $0xA;
	s2 =	sadd.s32 s3, s2  }
0x8d: {  	s2 =	sadd.s32 s2, s16  }
0x8e: {  	[smem:$0x3FC2] =	sst s2  }
0x8f: {  	_ = 	snop  }
0x90: {  	(tm) =	ssettm $0x1  }
0x91: {  	s17 =	sld [smem:$0x3FFB];
	_ =	sdelay $0x3  }
0x92: {  	_ =	strace s17  }
0x93: {  	s2 =	sld [smem:$0x3FFC];
	_ =	sdelay $0x3  }
0x94: {  	_ =	strace s2  }
0x95: {  	s2 =	sld [smem:$0x3FFD];
	_ =	sdelay $0x3  }
0x96: {  	_ =	strace s2  }
0x97: {  	_ =	strace $0x8FFFFFFF  }
0x98: {  	s18 =	sld [smem:$0x3FDB];
	_ =	sdelay $0x1  }
0x99: {  	s19 =	simm.s32 $_scs_section_size  }
0x9a: {  	s4 =	simm.s32 $_size__tile_overlayer_lowered;
	s5 =	simm.s32 $_tile_overlayer_lowered  }
0x9b: {  	s22 =	simm.s32 $0x1BFF;
	s21 =	sshll.u32 s5, $0x1;
	s2 =	sadd.s32 s19, s18  }
0x9c: {  	s6 =	simm.s32 $0x0;
	s20 =	sshll.u32 s4, $0x1;
	s4 =	sadd.s32 s21, s2  }
0x9d: {  	[timem:s6], [sflag:s22] =	dma.local [hbm:s4], s20  }
0x9e: {  	_ =	swait.ge [sflag:s22], s20  }
0x9f: {  	s3 =	ssub.s32 $0x0, s20;
	[sflag:s22] =	ssyncset.done $0x0  }
0xa0: {  	[sflag:s22] =	ssyncadd.s32 s3;
	_ =	sdelay $0x1  }
0xa1: {  	s23 =	simm.s32 $0x1B8B  }
0xa2: {  	_ =	swait.ge [sflag:s23], $0x1  }
0xa3: {  	[sflag:s23] =	ssyncset.done $0x0  }
0xa4: {  	s25 =	simm.s32 $0x1B8E;
	s24 =	sld [smem:$0x3FFE];
	[sflag:s23] =	ssyncadd.s32 $0xFFFFFFFF  }
0xa5: {  	s26 =	simm.s32 $execute0_lowered;
	[smem:$0x3FD2] =	sst s25  }
0xa6: {  	s4 =	sshll.u32 s26, $0x1;
	_ =	strace $0x80000046;
	[dreg:$0x1] =	wrdreg $0xFFFFFFFF  }
0xa7: {  	s28 =	simm.s32 $_size_execute0_lowered;
	s2 =	sadd.s32 s2, s4;
	[dreg:$0x0] =	wrdreg $0x0  }
0xa8: {  	s4 =	sshll.u32 s28, $0x1;
	[dreg:$0x2] =	wrdreg s2  }
0xa9: {  	[dreg:$0x3] =	wrdreg s4  }
0xaa: {  	[dreg:$0x4] =	wrdreg $0xC0  }
0xab: {  	_ =	task [dreg:s6], $0x5FFFF  }
0xac: {  	[dreg:$0x1] =	wrdreg $0xFFFFFFFF  }
0xad: {  	[dreg:$0x0] =	wrdreg $0x60  }
0xae: {  	[dreg:$0x2] =	wrdreg s24  }
0xaf: {  	[dreg:$0x3] =	wrdreg $0x9  }
0xb0: {  	_ =	task.clear_ibuf [dreg:s6], $0x4FFFF;
	_ =	strace $0x90000046  }
0xb1: {  	s29 =	simm.s32 $0x9;
	_ =	strace $0x80000048  }
0xb2: {  	_ =	swait.ge [sflag:s29], $0x1  }
0xb3: {  	[sflag:s29] =	ssyncadd.s32 $0xFFFFFFFF  }
0xb4: {  	_ =	strace $0x90000048  }
0xb5: {  	_ =	sfence  }
0xb6: {  	s30 =	sld [smem:$0x0];
	_ =	sdelay $0x2  }
0xb7: {  	s31 =	sshll.u32 s1, $0xD;
	s1 =	sshrl.u32 s1, $0x2  }
0xb8: {  	s3 =	sand.u32 $0x4000, s31;
	s1 =	sadd.s32 s1, s30  }
0xb9: {  	s0 =	sor.u32 s3, s0;
	s1 =	sshll.u32 s1, $0x11  }
0xba: {  	s0 =	sor.u32 s1, s0  }
0xbb: {  	s0 =	sadd.s32 $0x8F2B, s0  }
0xbc: {  	[sflag:s0] =	ssyncadd.remote.s32 $0x1  }
0xbd: {  	_ =	sfence.sel $0xFFFF  }
0xbe: {  	[dreg:$0x0] =	wrdreg $0xFFFFFFFF;
	(pc) =	sbr.abs _section_cstart, $3  }
0xbf: {  	[dreg:$0x1] =	wrdreg $0xFFFFFFFF  }
0xc0: {  	_ =	task.clear_ibuf [dreg:s6], $0x2FFFF;
	_ =	strace $0x9FFFFFFF  }
0xc1: {  	(tm) =	ssettm $0x7FFFFFFF  }
tec
execute0_lowered:
.L_overlay_start_1:
0x0: {  	(tag) =	ssettag $0x1  }
0x1: {  	s0 =	srdreg.scid  }
0x2: {  	s3 =	sand.u32 $0x1, s0  }
0x3: {  	s0 =	stileid.u32;
	s1 =	sshll.u32 s3, $0x4  }
0x4: {  	s4 =	rddreg [dreg:$0x0];
	s2 =	simm.s32 $0x0;
	s1 =	sor.u32 s0, s1  }
0x5: {  	s7 =	simm.s32 $0x2710;
	s3 =	ssub.s32 $0x2, s3;
	s5 =	smul.u32 $0x2710, s1  }
0x6: {  	s8 =	simm.s32 $0x0;
	[smem:$0x7FF] =	sst s2;
	s6 =	sshrl.u32 s3, $0x1  }
0x7: {  	s1 =	rddreg [dreg:$0x1];
	_ =	strace $0x80000047;
	s5 =	sshrl.u32 s5, $0x3  }
0x8: {  	s31 =	ssub.s32 s3, s6;
	s6 =	simm.s32 $0x1;
	s4 =	sadd.s32 s5, s4  }
0x9: {  	v0 =	vimm.f32 $0.0e+00;
	v1 =	vimm.f32 $1.000000000e+00;
	s5 =	smax.u32 s31, $0x1;
	s3 =	sadd.s32 $0xC040, s4;
	s4 =	sadd.s32 $0x15E00, s4  }
.LBB2_1:
0xa: {  	[tilespmem:s2], [sflag:$0x1] =	stream.linear.gather [hbm4b:s3+s2], $0x2710, $0x38;
	[tilespmem:$0x4E20] =	vst v63  }
0xb: {  	_ =	swait.ge [sflag:s6], $0x2710  }
0xc: {  	[sflag:s6] =	ssyncset.done $0x0  }
0xd: {  	s9 =	simm.s32 $0x2750;
	[sflag:s6] =	ssyncadd.s32 $0xFFFFD8F0  }
0xe: {  	[tilespmem:s9+$0xFFFFFFC0] =	vst v0  }
0xf: {  	[tilespmem:s9+$0x30] =	vst v0  }
0x10: {  	[tilespmem:s9+$0x20] =	vst v0  }
0x11: {  	[tilespmem:s9+$0x10] =	vst v0  }
0x12: {  	[tilespmem:s9+$0x0] =	vst v0  }
0x13: {  	[tilespmem:s9+$0xFFFFFFF0] =	vst v0  }
0x14: {  	s10 =	simm.s32 $0x0;
	[tilespmem:s9+$0xFFFFFFE0] =	vst v0  }
.LBB2_2:
0x15: {  	s10 =	sadd.s32 $0x8, s10;
	[tilespmem:s9+$0xFFFFFFD0] =	vst v0;
	s9 =	sadd.s32 $0x80, s9  }
0x16: {  	[tilespmem:s9+$0xFFFFFFC0] =	vst v0;
	p0 =	slt.u32 s10, $0x268  }
0x17: {  	[tilespmem:s9+$0x30] =	vst v0  }
.Ltmp0:
0x18: {  	[tilespmem:s9+$0x20] =	vst v0;
	(pc) =	sbr.rel @p0 .LBB2_2-.Ltmp0, $4  }
0x19: {  	[tilespmem:s9+$0x10] =	vst v0  }
0x1a: {  	[tilespmem:s9+$0x0] =	vst v0  }
0x1b: {  	[tilespmem:s9+$0xFFFFFFF0] =	vst v0  }
0x1c: {  	[tilespmem:s9+$0xFFFFFFE0] =	vst v0  }
0x1d: {  	[tilespmem:s9+$0xFFFFFFD0] =	vst v0  }
0x1e: {  	s9 =	simm.s32 $0x40;
	[tilespmem:$0x4E10] =	vst v0  }
0x1f: {  	v3 =	vld [tilespmem:s9+$0xFFFFFFC0]  }
0x20: {  	v4 =	vld [tilespmem:s9+$0x30]  }
0x21: {  	v5 =	vld [tilespmem:s9+$0x20]  }
0x22: {  	v6 =	vld [tilespmem:s9+$0x10]  }
0x23: {  	v7 =	vld [tilespmem:s9+$0x0]  }
0x24: {  	v8 =	vld [tilespmem:s9+$0xFFFFFFF0]  }
0x25: {  	v9 =	vld [tilespmem:s9+$0xFFFFFFE0]  }
0x26: {  	v2 =	vld [tilespmem:s9+$0xFFFFFFD0]  }
0x27: {  	[tilespmem:v3+s7+$0x0] =	vst.idx.add.f32.msk $0xffff, v1  }
0x28: {  	[tilespmem:v4+s7+$0x0] =	vst.idx.add.f32.msk $0xffff, v1  }
0x29: {  	[tilespmem:v5+s7+$0x0] =	vst.idx.add.f32.msk $0xffff, v1  }
0x2a: {  	[tilespmem:v6+s7+$0x0] =	vst.idx.add.f32.msk $0xffff, v1  }
0x2b: {  	[tilespmem:v7+s7+$0x0] =	vst.idx.add.f32.msk $0xffff, v1  }
0x2c: {  	[tilespmem:v8+s7+$0x0] =	vst.idx.add.f32.msk $0xffff, v1  }
0x2d: {  	s10 =	simm.s32 $0x0;
	[tilespmem:v9+s7+$0x0] =	vst.idx.add.f32.msk $0xffff, v1  }
.LBB2_4:
0x2e: {  	s10 =	sadd.s32 $0x8, s10;
	[tilespmem:v2+s7+$0x0] =	vst.idx.add.f32.msk $0xffff, v1;
	s9 =	sadd.s32 $0x80, s9  }
0x2f: {  	v3 =	vld [tilespmem:s9+$0xFFFFFFC0];
	p0 =	slt.u32 s10, $0x268  }
0x30: {  	v4 =	vld [tilespmem:s9+$0x30]  }
0x31: {  	v5 =	vld [tilespmem:s9+$0x20]  }
0x32: {  	v6 =	vld [tilespmem:s9+$0x10]  }
0x33: {  	v7 =	vld [tilespmem:s9+$0x0]  }
0x34: {  	v8 =	vld [tilespmem:s9+$0xFFFFFFF0]  }
0x35: {  	v9 =	vld [tilespmem:s9+$0xFFFFFFE0]  }
0x36: {  	v2 =	vld [tilespmem:s9+$0xFFFFFFD0]  }
0x37: {  	[tilespmem:v3+s7+$0x0] =	vst.idx.add.f32.msk $0xffff, v1  }
0x38: {  	[tilespmem:v4+s7+$0x0] =	vst.idx.add.f32.msk $0xffff, v1  }
.Ltmp1:
0x39: {  	[tilespmem:v5+s7+$0x0] =	vst.idx.add.f32.msk $0xffff, v1;
	(pc) =	sbr.rel @p0 .LBB2_4-.Ltmp1, $4  }
0x3a: {  	[tilespmem:v6+s7+$0x0] =	vst.idx.add.f32.msk $0xffff, v1  }
0x3b: {  	[tilespmem:v7+s7+$0x0] =	vst.idx.add.f32.msk $0xffff, v1  }
0x3c: {  	[tilespmem:v8+s7+$0x0] =	vst.idx.add.f32.msk $0xffff, v1  }
0x3d: {  	[tilespmem:v9+s7+$0x0] =	vst.idx.add.f32.msk $0xffff, v1  }
0x3e: {  	_ =	sdelay $0x3  }
0x3f: {  	[tilespmem:v2+s7+$0x0] =	vst.idx.add.f32.msk $0xffff, v1  }
0x40: {  	v2 =	vld [tilespmem:$0x2700];
	_ =	sdelay $0x5  }
0x41: {  	s8 =	sadd.s32 $0x1, s8  }
0x42: {  	p0 =	sne.s32 s8, s5  }
.Ltmp2:
0x43: {  	[tilespmem:v2+s7+$0x0] =	vst.idx.add.f32.msk $0xffff, v1;
	(pc) =	sbr.rel @p0 .LBB2_1-.Ltmp2, $4  }
0x44: {  	[hbm4b:s4+s2] =	stream.linear.scatter [tilespmem:s7], [sflag:$0x1], $0x2710, $0x38;
	[tilespmem:$0x4E20] =	vst v63  }
0x45: {  	_ =	swait.ge [sflag:s6], $0x2710  }
0x46: {  	[sflag:s6] =	ssyncset.done $0x0  }
0x47: {  	[sflag:s6] =	ssyncadd.s32 $0xFFFFD8F0  }
0x48: {  	_ =	sfence.sel $0x180000  }
0x49: {  	[bflag:$0x0] =	sbarrier.arrive $0xFFFF  }
0x4a: {  	p0 =	sne.s32 s0, $0x0;
	_ =	strace $0x90000047  }
0x4b: {  	s0 =	sadd.s32 @!p0 $0x100000, s1;
	[bflag:$0x2] =	sbarrier.arrive $0xFFFF  }
0x4c: {  	[sflag:s0] =	ssyncadd.tile.s32 @!p0 $0x1;
	_ =	shalt  }
.Lfunc_end2:
_tile_overlayer_lowered:
.L_overlay_start_2:
0x4d: {  	(tag) =	ssettag $0x2  }
0x4e: {  	s0 =	rddreg [dreg:$0x0];
	s2 =	stileid.u32  }
0x4f: {  	s1 =	rddreg [dreg:$0x1];
	p0 =	sne.s32 s2, $0x0  }
0x50: {  	s3 =	rddreg [dreg:$0x2];
	[bflag:$0x3] =	sbarrier.arrive $0xFFFF;
	s2 =	simm.s32 @!p0 $0x1C01  }
0x51: {  	[timem:s3], [sflag:s2] =	dma.local @!p0 [hbm:s0], s1  }
0x52: {  	s0 =	simm.s32 @!p0 $0x1  }
0x53: {  	_ =	swait.ge @!p0 [sflag:s0], s1  }
0x54: {  	s1 =	ssub.s32 @!p0 $0x0, s1;
	[sflag:s0] =	ssyncset.done @!p0 $0x0  }
0x55: {  	[sflag:s0] =	ssyncadd.s32 @!p0 s1  }
0x56: {  	[bflag:$0x3] =	sbarrier.arrive $0xFFFF  }
0x57: {  	_ =	shalt  }

</sc_bundles>
